<compile_context>
chip_gen: v7x
topology: tpu7x:2x2x1
jax: 0.10.2.dev20260603
libtpu: 0.0.44.dev20260713+nightly
codegen_flags: <defaults>
</compile_context>

<pallas_src>
import functools

import jax
import jax.numpy as jnp
from jax import lax
from jax.experimental import pallas as pl
from jax.experimental.pallas import tpu as pltpu
from jax.experimental.pallas import tpu_sc as plsc

_B, _N, _D = 2, 10000, 128
_E = 160000
_NC, _NS, _L = 2, 16, 16
_NW = _NC * _NS
_EPW = _E // _NW
_CHUNK = 40
_NCHUNK = _EPW // _CHUNK
_TCHUNK = _B * _NCHUNK
_CPROWS = 80
_NCPB = _N // _CPROWS
_CPK = -(-_NCPB // _NW)
_NBUF = 4


def _unpool_body(inp_hbm, idx_hbm, out_hbm, idx_v, out_v, gsem, asem, ssem,
                 csem):
    wid = lax.axis_index("s") * _NC + lax.axis_index("c")

    def _cp_refs(b, k):
        cid = wid + k * _NW
        src = inp_hbm.at[pl.ds(b * _N + cid * _CPROWS, _CPROWS)]
        dst = out_hbm.at[pl.ds(b * (_N + _E) + cid * _CPROWS, _CPROWS)]
        return cid, src, dst

    for b in range(_B):
        for k in range(_CPK):
            cid, src, dst = _cp_refs(b, k)

            @pl.when(cid < _NCPB)
            def _fire():
                pltpu.async_copy(src, dst, csem)

    pltpu.sync_copy(idx_hbm.at[wid], idx_v)

    def _issue_gather_i(c, u):
        pltpu.async_copy(inp_hbm.at[idx_v.at[c, 0]], out_v.at[u], gsem.at[u])

    def _wait(sem, u):
        pltpu.make_async_copy(inp_hbm.at[pl.ds(0, _CHUNK)], out_v.at[u],
                              sem.at[u]).wait()

    def _store(c, u):
        b = c & 1
        r = lax.shift_right_logical(c, 1)
        orow = b * (_N + _E) + _N + wid * _EPW + r * _CHUNK
        pltpu.async_copy(out_v.at[u], out_hbm.at[pl.ds(orow, _CHUNK)],
                         ssem.at[u])

    def _scale_pass(v):
        pass

    _issue_gather_i(0, 0)
    _issue_gather_i(1, 1)

    @pl.loop(0, _TCHUNK)
    def _chunk(c):
        u = c & (_NBUF - 1)
        _wait(gsem, u)
        pltpu.async_copy(inp_hbm.at[idx_v.at[c, 1]], out_v.at[u],
                         asem.at[u], add=True)

        @pl.when(c >= 1)
        def _finish_prev():
            v = (c - 1) & (_NBUF - 1)
            _wait(asem, v)
            _scale_pass(v)
            _store(c - 1, v)

        @pl.when(c + 2 < _TCHUNK)
        def _next():
            w = (c + 2) & (_NBUF - 1)

            @pl.when(c >= 2)
            def _free():
                _wait(ssem, w)

            _issue_gather_i(c + 2, w)

    vlast = (_TCHUNK - 1) & (_NBUF - 1)
    _wait(asem, vlast)
    _scale_pass(vlast)
    _store(_TCHUNK - 1, vlast)
    for u in range(_NBUF):
        _wait(ssem, u)
    for b in range(_B):
        for k in range(_CPK):
            cid, src, dst = _cp_refs(b, k)

            @pl.when(cid < _NCPB)
            def _drain():
                pltpu.make_async_copy(src, dst, csem).wait()


@jax.jit
def kernel(inputs, unpool_idx):
    idx4 = unpool_idx.reshape(_NW, _NCHUNK, _CHUNK, 2)
    idx_ij = jnp.moveaxis(idx4, 3, 2)
    idx_all = jnp.stack([idx_ij, idx_ij + _N], axis=2)
    idx_all = idx_all.reshape(_NW, _TCHUNK, 2, _CHUNK)
    mesh = plsc.VectorSubcoreMesh(core_axis_name="c", subcore_axis_name="s")
    run = pl.kernel(
        _unpool_body,
        out_type=jax.ShapeDtypeStruct((_B * (_N + _E), _D), jnp.float32),
        mesh=mesh,
        scratch_types=[
            pltpu.VMEM((_TCHUNK, 2, _CHUNK), jnp.int32),
            pltpu.VMEM((_NBUF, _CHUNK, _D), jnp.float32),
            pltpu.SemaphoreType.DMA((_NBUF,)),
            pltpu.SemaphoreType.DMA((_NBUF,)),
            pltpu.SemaphoreType.DMA((_NBUF,)),
            pltpu.SemaphoreType.DMA,
        ],
    )
    out = run(inputs.reshape(_B * _N, _D), idx_all)
    return out.reshape(_B, _N + _E, _D)

# --- scband reference (transcript-rebuilt; emitter-appended) ---
"""Pipeline reference for scband-graph-unpooling-layer-61211873903368 (READ-ONLY COPY).

The authoritative reference and input builder live on the scoring server;
editing this copy changes nothing except your own understanding.
"""

import jax, jax.numpy as jnp
import numpy as np

B, N, D = 2, 10000, 128
E = 160000

def setup_inputs(seed: int = 0) -> dict:
    key = jax.random.key(seed)
    k1, k2 = jax.random.split(key)
    inputs = jax.random.normal(k1, (B, N, D), dtype=jnp.float32)
    unpool_idx = jax.random.randint(k2, (E, 2), 0, N, dtype=jnp.int32)
    return {"inputs": inputs, "unpool_idx": unpool_idx}

def reference(inputs, unpool_idx):
    # Graph unpooling (Pixel2Mesh-style): for each edge (i, j) in unpool_idx,
    # create a new vertex feature as the midpoint 0.5 * (f_i + f_j),
    # then append the new vertices to the existing ones along the vertex axis.
    new_feats = inputs[:, unpool_idx]            # [B, E, 2, D] gather
    new_verts = 0.5 * jnp.sum(new_feats, axis=2)  # [B, E, D]
    output = jnp.concatenate([inputs, new_verts], axis=1)  # [B, N+E, D]
    return output

if __name__ == "__main__":
    import jax
    _d = setup_inputs()
    print(jax.jit(kernel)(*tuple(_d.values())))

</pallas_src>

<mosaic_0001>
#map = affine_map<(d0, d1) -> (0, 0)>
#map1 = affine_map<(d0, d1) -> (0, 0, 0, 0)>
module attributes {stable_mosaic.version = 14 : i64} {
  func.func @_unpool_body(%arg0: i32, %arg1: i32, %arg2: memref<20000x128xf32, #tpu.memory_space<hbm>>, %arg3: memref<32x250x2x40xi32, #tpu.memory_space<hbm>>, %arg4: memref<340000x128xf32, #tpu.memory_space<hbm>>, %arg5: memref<250x2x40xi32, #tpu.memory_space<vmem>>, %arg6: memref<4x40x128xf32, #tpu.memory_space<vmem>>, %arg7: memref<4x!tpu.dma_semaphore, #tpu.memory_space<semaphore_mem>>, %arg8: memref<4x!tpu.dma_semaphore, #tpu.memory_space<semaphore_mem>>, %arg9: memref<4x!tpu.dma_semaphore, #tpu.memory_space<semaphore_mem>>, %arg10: memref<!tpu.dma_semaphore, #tpu.memory_space<semaphore_mem>>) attributes {dimension_semantics = [#tpu.dimension_semantics<core_parallel>, #tpu.dimension_semantics<subcore_parallel>], iteration_bounds = array<i64: 2, 16>, scalar_prefetch = 0 : i64, scratch_operands = 6 : i64, tpu.core_type = #tpu.core_type<sc_vector_subcore>, window_params = [{transform_indices = #map}, {transform_indices = #map1}, {transform_indices = #map}]} {
    %mul3A = arith.constant 2 : i32
    %mul3A_0 = arith.muli %arg1, %mul3A : i32
    %add3A = arith.addi %mul3A_0, %arg0 : i32
    %add3A_1 = arith.constant 0 : i32
    %add3A_2 = arith.addi %add3A, %add3A_1 : i32
    %mul3A_3 = arith.constant 80 : i32
    %mul3A_4 = arith.muli %add3A_2, %mul3A_3 : i32
    %add3A_5 = arith.constant 0 : i32
    %add3A_6 = arith.addi %add3A_5, %mul3A_4 : i32
    %mul3A_7 = arith.constant 80 : i32
    %mul3A_8 = arith.muli %add3A_2, %mul3A_7 : i32
    %add3A_9 = arith.constant 0 : i32
    %add3A_10 = arith.addi %add3A_9, %mul3A_8 : i32
    %lt3A = arith.constant 125 : i32
    %lt3A_11 = arith.cmpi slt, %add3A_2, %lt3A : i32
    %convert_element_type3A = arith.extui %lt3A_11 : i1 to i32
    %cond3A = arith.constant 0 : i32
    %cond3A_12 = arith.cmpi ne, %convert_element_type3A, %cond3A : i32
    scf.if %cond3A_12 {
      %dma_start3A_387 = arith.constant 0 : i32
      %dma_start3A_388 = tpu.memref_slice %arg4[%add3A_10, %dma_start3A_387] : memref<340000x128xf32, #tpu.memory_space<hbm>> -> memref<80x128xf32, #tpu.memory_space<hbm>>
      %dma_start3A_389 = arith.constant 0 : i32
      %dma_start3A_390 = tpu.memref_slice %arg2[%add3A_6, %dma_start3A_389] : memref<20000x128xf32, #tpu.memory_space<hbm>> -> memref<80x128xf32, #tpu.memory_space<hbm>>
      tpu.enqueue_dma source(%dma_start3A_390 : memref<80x128xf32, #tpu.memory_space<hbm>>) target(%dma_start3A_388 : memref<80x128xf32, #tpu.memory_space<hbm>>) target_semaphore(%arg10 : memref<!tpu.dma_semaphore, #tpu.memory_space<semaphore_mem>>)
    } else {
    }
    %add3A_13 = arith.constant 32 : i32
    %add3A_14 = arith.addi %add3A, %add3A_13 : i32
    %mul3A_15 = arith.constant 80 : i32
    %mul3A_16 = arith.muli %add3A_14, %mul3A_15 : i32
    %add3A_17 = arith.constant 0 : i32
    %add3A_18 = arith.addi %add3A_17, %mul3A_16 : i32
    %mul3A_19 = arith.constant 80 : i32
    %mul3A_20 = arith.muli %add3A_14, %mul3A_19 : i32
    %add3A_21 = arith.constant 0 : i32
    %add3A_22 = arith.addi %add3A_21, %mul3A_20 : i32
    %lt3A_23 = arith.constant 125 : i32
    %lt3A_24 = arith.cmpi slt, %add3A_14, %lt3A_23 : i32
    %convert_element_type3A_25 = arith.extui %lt3A_24 : i1 to i32
    %cond3A_26 = arith.constant 0 : i32
    %cond3A_27 = arith.cmpi ne, %convert_element_type3A_25, %cond3A_26 : i32
    scf.if %cond3A_27 {
      %dma_start3A_387 = arith.constant 0 : i32
      %dma_start3A_388 = tpu.memref_slice %arg4[%add3A_22, %dma_start3A_387] : memref<340000x128xf32, #tpu.memory_space<hbm>> -> memref<80x128xf32, #tpu.memory_space<hbm>>
      %dma_start3A_389 = arith.constant 0 : i32
      %dma_start3A_390 = tpu.memref_slice %arg2[%add3A_18, %dma_start3A_389] : memref<20000x128xf32, #tpu.memory_space<hbm>> -> memref<80x128xf32, #tpu.memory_space<hbm>>
      tpu.enqueue_dma source(%dma_start3A_390 : memref<80x128xf32, #tpu.memory_space<hbm>>) target(%dma_start3A_388 : memref<80x128xf32, #tpu.memory_space<hbm>>) target_semaphore(%arg10 : memref<!tpu.dma_semaphore, #tpu.memory_space<semaphore_mem>>)
    } else {
    }
    %add3A_28 = arith.constant 64 : i32
    %add3A_29 = arith.addi %add3A, %add3A_28 : i32
    %mul3A_30 = arith.constant 80 : i32
    %mul3A_31 = arith.muli %add3A_29, %mul3A_30 : i32
    %add3A_32 = arith.constant 0 : i32
    %add3A_33 = arith.addi %add3A_32, %mul3A_31 : i32
    %mul3A_34 = arith.constant 80 : i32
    %mul3A_35 = arith.muli %add3A_29, %mul3A_34 : i32
    %add3A_36 = arith.constant 0 : i32
    %add3A_37 = arith.addi %add3A_36, %mul3A_35 : i32
    %lt3A_38 = arith.constant 125 : i32
    %lt3A_39 = arith.cmpi slt, %add3A_29, %lt3A_38 : i32
    %convert_element_type3A_40 = arith.extui %lt3A_39 : i1 to i32
    %cond3A_41 = arith.constant 0 : i32
    %cond3A_42 = arith.cmpi ne, %convert_element_type3A_40, %cond3A_41 : i32
    scf.if %cond3A_42 {
      %dma_start3A_387 = arith.constant 0 : i32
      %dma_start3A_388 = tpu.memref_slice %arg4[%add3A_37, %dma_start3A_387] : memref<340000x128xf32, #tpu.memory_space<hbm>> -> memref<80x128xf32, #tpu.memory_space<hbm>>
      %dma_start3A_389 = arith.constant 0 : i32
      %dma_start3A_390 = tpu.memref_slice %arg2[%add3A_33, %dma_start3A_389] : memref<20000x128xf32, #tpu.memory_space<hbm>> -> memref<80x128xf32, #tpu.memory_space<hbm>>
      tpu.enqueue_dma source(%dma_start3A_390 : memref<80x128xf32, #tpu.memory_space<hbm>>) target(%dma_start3A_388 : memref<80x128xf32, #tpu.memory_space<hbm>>) target_semaphore(%arg10 : memref<!tpu.dma_semaphore, #tpu.memory_space<semaphore_mem>>)
    } else {
    }
    %add3A_43 = arith.constant 96 : i32
    %add3A_44 = arith.addi %add3A, %add3A_43 : i32
    %mul3A_45 = arith.constant 80 : i32
    %mul3A_46 = arith.muli %add3A_44, %mul3A_45 : i32
    %add3A_47 = arith.constant 0 : i32
    %add3A_48 = arith.addi %add3A_47, %mul3A_46 : i32
    %mul3A_49 = arith.constant 80 : i32
    %mul3A_50 = arith.muli %add3A_44, %mul3A_49 : i32
    %add3A_51 = arith.constant 0 : i32
    %add3A_52 = arith.addi %add3A_51, %mul3A_50 : i32
    %lt3A_53 = arith.constant 125 : i32
    %lt3A_54 = arith.cmpi slt, %add3A_44, %lt3A_53 : i32
    %convert_element_type3A_55 = arith.extui %lt3A_54 : i1 to i32
    %cond3A_56 = arith.constant 0 : i32
    %cond3A_57 = arith.cmpi ne, %convert_element_type3A_55, %cond3A_56 : i32
    scf.if %cond3A_57 {
      %dma_start3A_387 = arith.constant 0 : i32
      %dma_start3A_388 = tpu.memref_slice %arg4[%add3A_52, %dma_start3A_387] : memref<340000x128xf32, #tpu.memory_space<hbm>> -> memref<80x128xf32, #tpu.memory_space<hbm>>
      %dma_start3A_389 = arith.constant 0 : i32
      %dma_start3A_390 = tpu.memref_slice %arg2[%add3A_48, %dma_start3A_389] : memref<20000x128xf32, #tpu.memory_space<hbm>> -> memref<80x128xf32, #tpu.memory_space<hbm>>
      tpu.enqueue_dma source(%dma_start3A_390 : memref<80x128xf32, #tpu.memory_space<hbm>>) target(%dma_start3A_388 : memref<80x128xf32, #tpu.memory_space<hbm>>) target_semaphore(%arg10 : memref<!tpu.dma_semaphore, #tpu.memory_space<semaphore_mem>>)
    } else {
    }
    %add3A_58 = arith.constant 0 : i32
    %add3A_59 = arith.addi %add3A, %add3A_58 : i32
    %mul3A_60 = arith.constant 80 : i32
    %mul3A_61 = arith.muli %add3A_59, %mul3A_60 : i32
    %add3A_62 = arith.constant 10000 : i32
    %add3A_63 = arith.addi %add3A_62, %mul3A_61 : i32
    %mul3A_64 = arith.constant 80 : i32
    %mul3A_65 = arith.muli %add3A_59, %mul3A_64 : i32
    %add3A_66 = arith.constant 170000 : i32
    %add3A_67 = arith.addi %add3A_66, %mul3A_65 : i32
    %lt3A_68 = arith.constant 125 : i32
    %lt3A_69 = arith.cmpi slt, %add3A_59, %lt3A_68 : i32
    %convert_element_type3A_70 = arith.extui %lt3A_69 : i1 to i32
    %cond3A_71 = arith.constant 0 : i32
    %cond3A_72 = arith.cmpi ne, %convert_element_type3A_70, %cond3A_71 : i32
    scf.if %cond3A_72 {
      %dma_start3A_387 = arith.constant 0 : i32
      %dma_start3A_388 = tpu.memref_slice %arg4[%add3A_67, %dma_start3A_387] : memref<340000x128xf32, #tpu.memory_space<hbm>> -> memref<80x128xf32, #tpu.memory_space<hbm>>
      %dma_start3A_389 = arith.constant 0 : i32
      %dma_start3A_390 = tpu.memref_slice %arg2[%add3A_63, %dma_start3A_389] : memref<20000x128xf32, #tpu.memory_space<hbm>> -> memref<80x128xf32, #tpu.memory_space<hbm>>
      tpu.enqueue_dma source(%dma_start3A_390 : memref<80x128xf32, #tpu.memory_space<hbm>>) target(%dma_start3A_388 : memref<80x128xf32, #tpu.memory_space<hbm>>) target_semaphore(%arg10 : memref<!tpu.dma_semaphore, #tpu.memory_space<semaphore_mem>>)
    } else {
    }
    %add3A_73 = arith.constant 32 : i32
    %add3A_74 = arith.addi %add3A, %add3A_73 : i32
    %mul3A_75 = arith.constant 80 : i32
    %mul3A_76 = arith.muli %add3A_74, %mul3A_75 : i32
    %add3A_77 = arith.constant 10000 : i32
    %add3A_78 = arith.addi %add3A_77, %mul3A_76 : i32
    %mul3A_79 = arith.constant 80 : i32
    %mul3A_80 = arith.muli %add3A_74, %mul3A_79 : i32
    %add3A_81 = arith.constant 170000 : i32
    %add3A_82 = arith.addi %add3A_81, %mul3A_80 : i32
    %lt3A_83 = arith.constant 125 : i32
    %lt3A_84 = arith.cmpi slt, %add3A_74, %lt3A_83 : i32
    %convert_element_type3A_85 = arith.extui %lt3A_84 : i1 to i32
    %cond3A_86 = arith.constant 0 : i32
    %cond3A_87 = arith.cmpi ne, %convert_element_type3A_85, %cond3A_86 : i32
    scf.if %cond3A_87 {
      %dma_start3A_387 = arith.constant 0 : i32
      %dma_start3A_388 = tpu.memref_slice %arg4[%add3A_82, %dma_start3A_387] : memref<340000x128xf32, #tpu.memory_space<hbm>> -> memref<80x128xf32, #tpu.memory_space<hbm>>
      %dma_start3A_389 = arith.constant 0 : i32
      %dma_start3A_390 = tpu.memref_slice %arg2[%add3A_78, %dma_start3A_389] : memref<20000x128xf32, #tpu.memory_space<hbm>> -> memref<80x128xf32, #tpu.memory_space<hbm>>
      tpu.enqueue_dma source(%dma_start3A_390 : memref<80x128xf32, #tpu.memory_space<hbm>>) target(%dma_start3A_388 : memref<80x128xf32, #tpu.memory_space<hbm>>) target_semaphore(%arg10 : memref<!tpu.dma_semaphore, #tpu.memory_space<semaphore_mem>>)
    } else {
    }
    %add3A_88 = arith.constant 64 : i32
    %add3A_89 = arith.addi %add3A, %add3A_88 : i32
    %mul3A_90 = arith.constant 80 : i32
    %mul3A_91 = arith.muli %add3A_89, %mul3A_90 : i32
    %add3A_92 = arith.constant 10000 : i32
    %add3A_93 = arith.addi %add3A_92, %mul3A_91 : i32
    %mul3A_94 = arith.constant 80 : i32
    %mul3A_95 = arith.muli %add3A_89, %mul3A_94 : i32
    %add3A_96 = arith.constant 170000 : i32
    %add3A_97 = arith.addi %add3A_96, %mul3A_95 : i32
    %lt3A_98 = arith.constant 125 : i32
    %lt3A_99 = arith.cmpi slt, %add3A_89, %lt3A_98 : i32
    %convert_element_type3A_100 = arith.extui %lt3A_99 : i1 to i32
    %cond3A_101 = arith.constant 0 : i32
    %cond3A_102 = arith.cmpi ne, %convert_element_type3A_100, %cond3A_101 : i32
    scf.if %cond3A_102 {
      %dma_start3A_387 = arith.constant 0 : i32
      %dma_start3A_388 = tpu.memref_slice %arg4[%add3A_97, %dma_start3A_387] : memref<340000x128xf32, #tpu.memory_space<hbm>> -> memref<80x128xf32, #tpu.memory_space<hbm>>
      %dma_start3A_389 = arith.constant 0 : i32
      %dma_start3A_390 = tpu.memref_slice %arg2[%add3A_93, %dma_start3A_389] : memref<20000x128xf32, #tpu.memory_space<hbm>> -> memref<80x128xf32, #tpu.memory_space<hbm>>
      tpu.enqueue_dma source(%dma_start3A_390 : memref<80x128xf32, #tpu.memory_space<hbm>>) target(%dma_start3A_388 : memref<80x128xf32, #tpu.memory_space<hbm>>) target_semaphore(%arg10 : memref<!tpu.dma_semaphore, #tpu.memory_space<semaphore_mem>>)
    } else {
    }
    %add3A_103 = arith.constant 96 : i32
    %add3A_104 = arith.addi %add3A, %add3A_103 : i32
    %mul3A_105 = arith.constant 80 : i32
    %mul3A_106 = arith.muli %add3A_104, %mul3A_105 : i32
    %add3A_107 = arith.constant 10000 : i32
    %add3A_108 = arith.addi %add3A_107, %mul3A_106 : i32
    %mul3A_109 = arith.constant 80 : i32
    %mul3A_110 = arith.muli %add3A_104, %mul3A_109 : i32
    %add3A_111 = arith.constant 170000 : i32
    %add3A_112 = arith.addi %add3A_111, %mul3A_110 : i32
    %lt3A_113 = arith.constant 125 : i32
    %lt3A_114 = arith.cmpi slt, %add3A_104, %lt3A_113 : i32
    %convert_element_type3A_115 = arith.extui %lt3A_114 : i1 to i32
    %cond3A_116 = arith.constant 0 : i32
    %cond3A_117 = arith.cmpi ne, %convert_element_type3A_115, %cond3A_116 : i32
    scf.if %cond3A_117 {
      %dma_start3A_387 = arith.constant 0 : i32
      %dma_start3A_388 = tpu.memref_slice %arg4[%add3A_112, %dma_start3A_387] : memref<340000x128xf32, #tpu.memory_space<hbm>> -> memref<80x128xf32, #tpu.memory_space<hbm>>
      %dma_start3A_389 = arith.constant 0 : i32
      %dma_start3A_390 = tpu.memref_slice %arg2[%add3A_108, %dma_start3A_389] : memref<20000x128xf32, #tpu.memory_space<hbm>> -> memref<80x128xf32, #tpu.memory_space<hbm>>
      tpu.enqueue_dma source(%dma_start3A_390 : memref<80x128xf32, #tpu.memory_space<hbm>>) target(%dma_start3A_388 : memref<80x128xf32, #tpu.memory_space<hbm>>) target_semaphore(%arg10 : memref<!tpu.dma_semaphore, #tpu.memory_space<semaphore_mem>>)
    } else {
    }
    "tpu.region"() ({
      %run_scoped3A = tpu.sem_alloc : memref<!tpu.dma_semaphore, #tpu.memory_space<semaphore_mem>>
      %dma_start3A_387 = arith.constant 0 : i32
      %dma_start3A_388 = arith.constant 0 : i32
      %dma_start3A_389 = arith.constant 0 : i32
      %dma_start3A_390 = tpu.memref_slice %arg3[%add3A, %dma_start3A_387, %dma_start3A_388, %dma_start3A_389] : memref<32x250x2x40xi32, #tpu.memory_space<hbm>> -> memref<1x250x2x40xi32, #tpu.memory_space<hbm>>
      %dma_start3A_391 = tpu.memref_squeeze %dma_start3A_390 : memref<1x250x2x40xi32, #tpu.memory_space<hbm>> -> memref<250x2x40xi32, #tpu.memory_space<hbm>>
      %dma_start3A_392 = arith.constant 0 : i32
      %dma_start3A_393 = arith.constant 0 : i32
      %dma_start3A_394 = arith.constant 0 : i32
      %dma_start3A_395 = tpu.memref_slice %arg3[%add3A, %dma_start3A_392, %dma_start3A_393, %dma_start3A_394] : memref<32x250x2x40xi32, #tpu.memory_space<hbm>> -> memref<1x250x2x40xi32, #tpu.memory_space<hbm>>
      %dma_start3A_396 = tpu.memref_squeeze %dma_start3A_395 : memref<1x250x2x40xi32, #tpu.memory_space<hbm>> -> memref<250x2x40xi32, #tpu.memory_space<hbm>>
      tpu.enqueue_dma source(%dma_start3A_396 : memref<250x2x40xi32, #tpu.memory_space<hbm>>) target(%arg5 : memref<250x2x40xi32, #tpu.memory_space<vmem>>) target_semaphore(%run_scoped3A : memref<!tpu.dma_semaphore, #tpu.memory_space<semaphore_mem>>)
      %dma_wait3A_397 = arith.constant 0 : i32
      %dma_wait3A_398 = arith.constant 0 : i32
      %dma_wait3A_399 = arith.constant 0 : i32
      %dma_wait3A_400 = tpu.memref_slice %arg3[%add3A, %dma_wait3A_397, %dma_wait3A_398, %dma_wait3A_399] : memref<32x250x2x40xi32, #tpu.memory_space<hbm>> -> memref<1x250x2x40xi32, #tpu.memory_space<hbm>>
      %dma_wait3A_401 = tpu.memref_squeeze %dma_wait3A_400 : memref<1x250x2x40xi32, #tpu.memory_space<hbm>> -> memref<250x2x40xi32, #tpu.memory_space<hbm>>
      %dma_wait3A_402 = arith.constant 0 : i32
      %dma_wait3A_403 = arith.constant 0 : i32
      %dma_wait3A_404 = arith.constant 0 : i32
      %dma_wait3A_405 = tpu.memref_slice %arg3[%add3A, %dma_wait3A_402, %dma_wait3A_403, %dma_wait3A_404] : memref<32x250x2x40xi32, #tpu.memory_space<hbm>> -> memref<1x250x2x40xi32, #tpu.memory_space<hbm>>
      %dma_wait3A_406 = tpu.memref_squeeze %dma_wait3A_405 : memref<1x250x2x40xi32, #tpu.memory_space<hbm>> -> memref<250x2x40xi32, #tpu.memory_space<hbm>>
      tpu.wait_dma2 semaphore(%run_scoped3A : memref<!tpu.dma_semaphore, #tpu.memory_space<semaphore_mem>>) src(%dma_wait3A_406 : memref<250x2x40xi32, #tpu.memory_space<hbm>>) dst(%arg5 : memref<250x2x40xi32, #tpu.memory_space<vmem>>)
      tpu.yield
    }) : () -> ()
    %dma_start3A = arith.constant 0 : i32
    %dma_start3A_118 = arith.constant 0 : i32
    %dma_start3A_119 = arith.constant 0 : i32
    %dma_start3A_120 = arith.constant 0 : i32
    %dma_start3A_121 = arith.constant 0 : i32
    %dma_start3A_122 = arith.constant 0 : i32
    %dma_start3A_123 = tpu.memref_slice %arg6[%dma_start3A_119, %dma_start3A_121, %dma_start3A_122] : memref<4x40x128xf32, #tpu.memory_space<vmem>> -> memref<1x40x128xf32, #tpu.memory_space<vmem>>
    %dma_start3A_124 = tpu.memref_squeeze %dma_start3A_123 : memref<1x40x128xf32, #tpu.memory_space<vmem>> -> memref<40x128xf32, #tpu.memory_space<vmem>>
    %dma_start3A_125 = arith.constant 0 : i32
    %dma_start3A_126 = tpu.memref_slice %arg5[%dma_start3A, %dma_start3A_118, %dma_start3A_125] : memref<250x2x40xi32, #tpu.memory_space<vmem>> -> memref<1x1x40xi32, #tpu.memory_space<vmem>>
    %dma_start3A_127 = tpu.memref_squeeze %dma_start3A_126 : memref<1x1x40xi32, #tpu.memory_space<vmem>> -> memref<40xi32, #tpu.memory_space<vmem>>
    %dma_start3A_128 = arith.constant 0 : i32
    %dma_start3A_129 = arith.constant 0 : i32
    %dma_start3A_130 = tpu.memref_slice %arg2[%dma_start3A_128, %dma_start3A_129] : memref<20000x128xf32, #tpu.memory_space<hbm>> -> memref<20000x128xf32, #tpu.memory_space<hbm>>
    %dma_start3A_131 = tpu.memref_slice %arg7[%dma_start3A_120] : memref<4x!tpu.dma_semaphore, #tpu.memory_space<semaphore_mem>> -> memref<1x!tpu.dma_semaphore, #tpu.memory_space<semaphore_mem>>
    %dma_start3A_132 = tpu.memref_squeeze %dma_start3A_131 : memref<1x!tpu.dma_semaphore, #tpu.memory_space<semaphore_mem>> -> memref<!tpu.dma_semaphore, #tpu.memory_space<semaphore_mem>>
    tpu.enqueue_indirect_dma source(%dma_start3A_130 : memref<20000x128xf32, #tpu.memory_space<hbm>>) target(%dma_start3A_124 : memref<40x128xf32, #tpu.memory_space<vmem>>) offsets(%dma_start3A_127 : memref<40xi32, #tpu.memory_space<vmem>>) semaphore(%dma_start3A_132 : memref<!tpu.dma_semaphore, #tpu.memory_space<semaphore_mem>>)
    %dma_start3A_133 = arith.constant 1 : i32
    %dma_start3A_134 = arith.constant 0 : i32
    %dma_start3A_135 = arith.constant 1 : i32
    %dma_start3A_136 = arith.constant 1 : i32
    %dma_start3A_137 = arith.constant 0 : i32
    %dma_start3A_138 = arith.constant 0 : i32
    %dma_start3A_139 = tpu.memref_slice %arg6[%dma_start3A_135, %dma_start3A_137, %dma_start3A_138] : memref<4x40x128xf32, #tpu.memory_space<vmem>> -> memref<1x40x128xf32, #tpu.memory_space<vmem>>
    %dma_start3A_140 = tpu.memref_squeeze %dma_start3A_139 : memref<1x40x128xf32, #tpu.memory_space<vmem>> -> memref<40x128xf32, #tpu.memory_space<vmem>>
    %dma_start3A_141 = arith.constant 0 : i32
    %dma_start3A_142 = tpu.memref_slice %arg5[%dma_start3A_133, %dma_start3A_134, %dma_start3A_141] : memref<250x2x40xi32, #tpu.memory_space<vmem>> -> memref<1x1x40xi32, #tpu.memory_space<vmem>>
    %dma_start3A_143 = tpu.memref_squeeze %dma_start3A_142 : memref<1x1x40xi32, #tpu.memory_space<vmem>> -> memref<40xi32, #tpu.memory_space<vmem>>
    %dma_start3A_144 = arith.constant 0 : i32
    %dma_start3A_145 = arith.constant 0 : i32
    %dma_start3A_146 = tpu.memref_slice %arg2[%dma_start3A_144, %dma_start3A_145] : memref<20000x128xf32, #tpu.memory_space<hbm>> -> memref<20000x128xf32, #tpu.memory_space<hbm>>
    %dma_start3A_147 = tpu.memref_slice %arg7[%dma_start3A_136] : memref<4x!tpu.dma_semaphore, #tpu.memory_space<semaphore_mem>> -> memref<1x!tpu.dma_semaphore, #tpu.memory_space<semaphore_mem>>
    %dma_start3A_148 = tpu.memref_squeeze %dma_start3A_147 : memref<1x!tpu.dma_semaphore, #tpu.memory_space<semaphore_mem>> -> memref<!tpu.dma_semaphore, #tpu.memory_space<semaphore_mem>>
    tpu.enqueue_indirect_dma source(%dma_start3A_146 : memref<20000x128xf32, #tpu.memory_space<hbm>>) target(%dma_start3A_140 : memref<40x128xf32, #tpu.memory_space<vmem>>) offsets(%dma_start3A_143 : memref<40xi32, #tpu.memory_space<vmem>>) semaphore(%dma_start3A_148 : memref<!tpu.dma_semaphore, #tpu.memory_space<semaphore_mem>>)
    %scan3A = arith.constant 0 : i32
    %scan3A_149 = arith.constant 250 : i32
    %scan3A_150 = arith.addi %scan3A, %scan3A_149 : i32
    %scan3A_151 = arith.constant 1 : i32
    scf.for %scan3A_387 = %scan3A to %scan3A_150 step %scan3A_151  : i32 {
      %mul3A_388 = arith.constant 1 : i32
      %mul3A_389 = arith.muli %scan3A_387, %mul3A_388 : i32
      %add3A_390 = arith.constant 0 : i32
      %add3A_391 = arith.addi %add3A_390, %mul3A_389 : i32
      %and3A = arith.constant 3 : i32
      %and3A_392 = arith.andi %add3A_391, %and3A : i32
      %dma_wait3A_393 = arith.constant 0 : i32
      %dma_wait3A_394 = arith.constant 0 : i32
      %dma_wait3A_395 = tpu.memref_slice %arg6[%and3A_392, %dma_wait3A_393, %dma_wait3A_394] : memref<4x40x128xf32, #tpu.memory_space<vmem>> -> memref<1x40x128xf32, #tpu.memory_space<vmem>>
      %dma_wait3A_396 = tpu.memref_squeeze %dma_wait3A_395 : memref<1x40x128xf32, #tpu.memory_space<vmem>> -> memref<40x128xf32, #tpu.memory_space<vmem>>
      %dma_wait3A_397 = arith.constant 0 : i32
      %dma_wait3A_398 = arith.constant 0 : i32
      %dma_wait3A_399 = tpu.memref_slice %arg2[%dma_wait3A_397, %dma_wait3A_398] : memref<20000x128xf32, #tpu.memory_space<hbm>> -> memref<40x128xf32, #tpu.memory_space<hbm>>
      %dma_wait3A_400 = tpu.memref_slice %arg7[%and3A_392] : memref<4x!tpu.dma_semaphore, #tpu.memory_space<semaphore_mem>> -> memref<1x!tpu.dma_semaphore, #tpu.memory_space<semaphore_mem>>
      %dma_wait3A_401 = tpu.memref_squeeze %dma_wait3A_400 : memref<1x!tpu.dma_semaphore, #tpu.memory_space<semaphore_mem>> -> memref<!tpu.dma_semaphore, #tpu.memory_space<semaphore_mem>>
      %dma_wait3A_402 = arith.constant 0 : i32
      %dma_wait3A_403 = arith.constant 0 : i32
      %dma_wait3A_404 = tpu.memref_slice %arg6[%and3A_392, %dma_wait3A_402, %dma_wait3A_403] : memref<4x40x128xf32, #tpu.memory_space<vmem>> -> memref<1x40x128xf32, #tpu.memory_space<vmem>>
      %dma_wait3A_405 = tpu.memref_squeeze %dma_wait3A_404 : memref<1x40x128xf32, #tpu.memory_space<vmem>> -> memref<40x128xf32, #tpu.memory_space<vmem>>
      %dma_wait3A_406 = arith.constant 0 : i32
      %dma_wait3A_407 = arith.constant 0 : i32
      %dma_wait3A_408 = tpu.memref_slice %arg2[%dma_wait3A_406, %dma_wait3A_407] : memref<20000x128xf32, #tpu.memory_space<hbm>> -> memref<40x128xf32, #tpu.memory_space<hbm>>
      tpu.wait_dma2 semaphore(%dma_wait3A_401 : memref<!tpu.dma_semaphore, #tpu.memory_space<semaphore_mem>>) src(%dma_wait3A_408 : memref<40x128xf32, #tpu.memory_space<hbm>>) dst(%dma_wait3A_405 : memref<40x128xf32, #tpu.memory_space<vmem>>)
      %dma_start3A_409 = arith.constant 1 : i32
      %dma_start3A_410 = arith.constant 0 : i32
      %dma_start3A_411 = arith.constant 0 : i32
      %dma_start3A_412 = tpu.memref_slice %arg6[%and3A_392, %dma_start3A_410, %dma_start3A_411] : memref<4x40x128xf32, #tpu.memory_space<vmem>> -> memref<1x40x128xf32, #tpu.memory_space<vmem>>
      %dma_start3A_413 = tpu.memref_squeeze %dma_start3A_412 : memref<1x40x128xf32, #tpu.memory_space<vmem>> -> memref<40x128xf32, #tpu.memory_space<vmem>>
      %dma_start3A_414 = arith.constant 0 : i32
      %dma_start3A_415 = tpu.memref_slice %arg5[%add3A_391, %dma_start3A_409, %dma_start3A_414] : memref<250x2x40xi32, #tpu.memory_space<vmem>> -> memref<1x1x40xi32, #tpu.memory_space<vmem>>
      %dma_start3A_416 = tpu.memref_squeeze %dma_start3A_415 : memref<1x1x40xi32, #tpu.memory_space<vmem>> -> memref<40xi32, #tpu.memory_space<vmem>>
      %dma_start3A_417 = arith.constant 0 : i32
      %dma_start3A_418 = arith.constant 0 : i32
      %dma_start3A_419 = tpu.memref_slice %arg2[%dma_start3A_417, %dma_start3A_418] : memref<20000x128xf32, #tpu.memory_space<hbm>> -> memref<20000x128xf32, #tpu.memory_space<hbm>>
      %dma_start3A_420 = tpu.memref_slice %arg8[%and3A_392] : memref<4x!tpu.dma_semaphore, #tpu.memory_space<semaphore_mem>> -> memref<1x!tpu.dma_semaphore, #tpu.memory_space<semaphore_mem>>
      %dma_start3A_421 = tpu.memref_squeeze %dma_start3A_420 : memref<1x!tpu.dma_semaphore, #tpu.memory_space<semaphore_mem>> -> memref<!tpu.dma_semaphore, #tpu.memory_space<semaphore_mem>>
      tpu.enqueue_indirect_dma source(%dma_start3A_419 : memref<20000x128xf32, #tpu.memory_space<hbm>>) target(%dma_start3A_413 : memref<40x128xf32, #tpu.memory_space<vmem>>) offsets(%dma_start3A_416 : memref<40xi32, #tpu.memory_space<vmem>>) semaphore(%dma_start3A_421 : memref<!tpu.dma_semaphore, #tpu.memory_space<semaphore_mem>>) {add = true}
      %ge3A = arith.constant 1 : i32
      %ge3A_422 = arith.cmpi sge, %add3A_391, %ge3A : i32
      %convert_element_type3A_423 = arith.extui %ge3A_422 : i1 to i32
      %cond3A_424 = arith.constant 0 : i32
      %cond3A_425 = arith.cmpi ne, %convert_element_type3A_423, %cond3A_424 : i32
      scf.if %cond3A_425 {
        %sub3A = arith.constant 1 : i32
        %sub3A_433 = arith.subi %add3A_391, %sub3A : i32
        %and3A_434 = arith.constant 3 : i32
        %and3A_435 = arith.andi %sub3A_433, %and3A_434 : i32
        %dma_wait3A_436 = arith.constant 0 : i32
        %dma_wait3A_437 = arith.constant 0 : i32
        %dma_wait3A_438 = tpu.memref_slice %arg6[%and3A_435, %dma_wait3A_436, %dma_wait3A_437] : memref<4x40x128xf32, #tpu.memory_space<vmem>> -> memref<1x40x128xf32, #tpu.memory_space<vmem>>
        %dma_wait3A_439 = tpu.memref_squeeze %dma_wait3A_438 : memref<1x40x128xf32, #tpu.memory_space<vmem>> -> memref<40x128xf32, #tpu.memory_space<vmem>>
        %dma_wait3A_440 = arith.constant 0 : i32
        %dma_wait3A_441 = arith.constant 0 : i32
        %dma_wait3A_442 = tpu.memref_slice %arg2[%dma_wait3A_440, %dma_wait3A_441] : memref<20000x128xf32, #tpu.memory_space<hbm>> -> memref<40x128xf32, #tpu.memory_space<hbm>>
        %dma_wait3A_443 = tpu.memref_slice %arg8[%and3A_435] : memref<4x!tpu.dma_semaphore, #tpu.memory_space<semaphore_mem>> -> memref<1x!tpu.dma_semaphore, #tpu.memory_space<semaphore_mem>>
        %dma_wait3A_444 = tpu.memref_squeeze %dma_wait3A_443 : memref<1x!tpu.dma_semaphore, #tpu.memory_space<semaphore_mem>> -> memref<!tpu.dma_semaphore, #tpu.memory_space<semaphore_mem>>
        %dma_wait3A_445 = arith.constant 0 : i32
        %dma_wait3A_446 = arith.constant 0 : i32
        %dma_wait3A_447 = tpu.memref_slice %arg6[%and3A_435, %dma_wait3A_445, %dma_wait3A_446] : memref<4x40x128xf32, #tpu.memory_space<vmem>> -> memref<1x40x128xf32, #tpu.memory_space<vmem>>
        %dma_wait3A_448 = tpu.memref_squeeze %dma_wait3A_447 : memref<1x40x128xf32, #tpu.memory_space<vmem>> -> memref<40x128xf32, #tpu.memory_space<vmem>>
        %dma_wait3A_449 = arith.constant 0 : i32
        %dma_wait3A_450 = arith.constant 0 : i32
        %dma_wait3A_451 = tpu.memref_slice %arg2[%dma_wait3A_449, %dma_wait3A_450] : memref<20000x128xf32, #tpu.memory_space<hbm>> -> memref<40x128xf32, #tpu.memory_space<hbm>>
        tpu.wait_dma2 semaphore(%dma_wait3A_444 : memref<!tpu.dma_semaphore, #tpu.memory_space<semaphore_mem>>) src(%dma_wait3A_451 : memref<40x128xf32, #tpu.memory_space<hbm>>) dst(%dma_wait3A_448 : memref<40x128xf32, #tpu.memory_space<vmem>>)
        %sub3A_452 = arith.constant 1 : i32
        %sub3A_453 = arith.subi %add3A_391, %sub3A_452 : i32
        %and3A_454 = arith.constant 1 : i32
        %and3A_455 = arith.andi %sub3A_453, %and3A_454 : i32
        %shift_right_logical3A_456 = arith.constant 1 : i32
        %shift_right_logical3A_457 = arith.shrui %sub3A_453, %shift_right_logical3A_456 : i32
        %mul3A_458 = arith.constant 170000 : i32
        %mul3A_459 = arith.muli %and3A_455, %mul3A_458 : i32
        %add3A_460 = arith.constant 10000 : i32
        %add3A_461 = arith.addi %mul3A_459, %add3A_460 : i32
        %mul3A_462 = arith.constant 5000 : i32
        %mul3A_463 = arith.muli %add3A, %mul3A_462 : i32
        %add3A_464 = arith.addi %add3A_461, %mul3A_463 : i32
        %mul3A_465 = arith.constant 40 : i32
        %mul3A_466 = arith.muli %shift_right_logical3A_457, %mul3A_465 : i32
        %add3A_467 = arith.addi %add3A_464, %mul3A_466 : i32
        %dma_start3A_468 = arith.constant 0 : i32
        %dma_start3A_469 = arith.constant 0 : i32
        %dma_start3A_470 = tpu.memref_slice %arg6[%and3A_435, %dma_start3A_468, %dma_start3A_469] : memref<4x40x128xf32, #tpu.memory_space<vmem>> -> memref<1x40x128xf32, #tpu.memory_space<vmem>>
        %dma_start3A_471 = tpu.memref_squeeze %dma_start3A_470 : memref<1x40x128xf32, #tpu.memory_space<vmem>> -> memref<40x128xf32, #tpu.memory_space<vmem>>
        %dma_start3A_472 = arith.constant 0 : i32
        %dma_start3A_473 = tpu.memref_slice %arg4[%add3A_467, %dma_start3A_472] : memref<340000x128xf32, #tpu.memory_space<hbm>> -> memref<40x128xf32, #tpu.memory_space<hbm>>
        %dma_start3A_474 = tpu.memref_slice %arg9[%and3A_435] : memref<4x!tpu.dma_semaphore, #tpu.memory_space<semaphore_mem>> -> memref<1x!tpu.dma_semaphore, #tpu.memory_space<semaphore_mem>>
        %dma_start3A_475 = tpu.memref_squeeze %dma_start3A_474 : memref<1x!tpu.dma_semaphore, #tpu.memory_space<semaphore_mem>> -> memref<!tpu.dma_semaphore, #tpu.memory_space<semaphore_mem>>
        %dma_start3A_476 = arith.constant 0 : i32
        %dma_start3A_477 = tpu.memref_slice %arg4[%add3A_467, %dma_start3A_476] : memref<340000x128xf32, #tpu.memory_space<hbm>> -> memref<40x128xf32, #tpu.memory_space<hbm>>
        %dma_start3A_478 = arith.constant 0 : i32
        %dma_start3A_479 = arith.constant 0 : i32
        %dma_start3A_480 = tpu.memref_slice %arg6[%and3A_435, %dma_start3A_478, %dma_start3A_479] : memref<4x40x128xf32, #tpu.memory_space<vmem>> -> memref<1x40x128xf32, #tpu.memory_space<vmem>>
        %dma_start3A_481 = tpu.memref_squeeze %dma_start3A_480 : memref<1x40x128xf32, #tpu.memory_space<vmem>> -> memref<40x128xf32, #tpu.memory_space<vmem>>
        tpu.enqueue_dma source(%dma_start3A_481 : memref<40x128xf32, #tpu.memory_space<vmem>>) target(%dma_start3A_477 : memref<40x128xf32, #tpu.memory_space<hbm>>) target_semaphore(%dma_start3A_475 : memref<!tpu.dma_semaphore, #tpu.memory_space<semaphore_mem>>)
      } else {
      }
      %add3A_426 = arith.constant 2 : i32
      %add3A_427 = arith.addi %add3A_391, %add3A_426 : i32
      %lt3A_428 = arith.constant 250 : i32
      %lt3A_429 = arith.cmpi slt, %add3A_427, %lt3A_428 : i32
      %convert_element_type3A_430 = arith.extui %lt3A_429 : i1 to i32
      %cond3A_431 = arith.constant 0 : i32
      %cond3A_432 = arith.cmpi ne, %convert_element_type3A_430, %cond3A_431 : i32
      scf.if %cond3A_432 {
        %add3A_433 = arith.constant 2 : i32
        %add3A_434 = arith.addi %add3A_391, %add3A_433 : i32
        %and3A_435 = arith.constant 3 : i32
        %and3A_436 = arith.andi %add3A_434, %and3A_435 : i32
        %ge3A_437 = arith.constant 2 : i32
        %ge3A_438 = arith.cmpi sge, %add3A_391, %ge3A_437 : i32
        %convert_element_type3A_439 = arith.extui %ge3A_438 : i1 to i32
        %cond3A_440 = arith.constant 0 : i32
        %cond3A_441 = arith.cmpi ne, %convert_element_type3A_439, %cond3A_440 : i32
        scf.if %cond3A_441 {
          %dma_wait3A_457 = arith.constant 0 : i32
          %dma_wait3A_458 = arith.constant 0 : i32
          %dma_wait3A_459 = tpu.memref_slice %arg6[%and3A_436, %dma_wait3A_457, %dma_wait3A_458] : memref<4x40x128xf32, #tpu.memory_space<vmem>> -> memref<1x40x128xf32, #tpu.memory_space<vmem>>
          %dma_wait3A_460 = tpu.memref_squeeze %dma_wait3A_459 : memref<1x40x128xf32, #tpu.memory_space<vmem>> -> memref<40x128xf32, #tpu.memory_space<vmem>>
          %dma_wait3A_461 = arith.constant 0 : i32
          %dma_wait3A_462 = arith.constant 0 : i32
          %dma_wait3A_463 = tpu.memref_slice %arg2[%dma_wait3A_461, %dma_wait3A_462] : memref<20000x128xf32, #tpu.memory_space<hbm>> -> memref<40x128xf32, #tpu.memory_space<hbm>>
          %dma_wait3A_464 = tpu.memref_slice %arg9[%and3A_436] : memref<4x!tpu.dma_semaphore, #tpu.memory_space<semaphore_mem>> -> memref<1x!tpu.dma_semaphore, #tpu.memory_space<semaphore_mem>>
          %dma_wait3A_465 = tpu.memref_squeeze %dma_wait3A_464 : memref<1x!tpu.dma_semaphore, #tpu.memory_space<semaphore_mem>> -> memref<!tpu.dma_semaphore, #tpu.memory_space<semaphore_mem>>
          %dma_wait3A_466 = arith.constant 0 : i32
          %dma_wait3A_467 = arith.constant 0 : i32
          %dma_wait3A_468 = tpu.memref_slice %arg6[%and3A_436, %dma_wait3A_466, %dma_wait3A_467] : memref<4x40x128xf32, #tpu.memory_space<vmem>> -> memref<1x40x128xf32, #tpu.memory_space<vmem>>
          %dma_wait3A_469 = tpu.memref_squeeze %dma_wait3A_468 : memref<1x40x128xf32, #tpu.memory_space<vmem>> -> memref<40x128xf32, #tpu.memory_space<vmem>>
          %dma_wait3A_470 = arith.constant 0 : i32
          %dma_wait3A_471 = arith.constant 0 : i32
          %dma_wait3A_472 = tpu.memref_slice %arg2[%dma_wait3A_470, %dma_wait3A_471] : memref<20000x128xf32, #tpu.memory_space<hbm>> -> memref<40x128xf32, #tpu.memory_space<hbm>>
          tpu.wait_dma2 semaphore(%dma_wait3A_465 : memref<!tpu.dma_semaphore, #tpu.memory_space<semaphore_mem>>) src(%dma_wait3A_472 : memref<40x128xf32, #tpu.memory_space<hbm>>) dst(%dma_wait3A_469 : memref<40x128xf32, #tpu.memory_space<vmem>>)
        } else {
        }
        %add3A_442 = arith.constant 2 : i32
        %add3A_443 = arith.addi %add3A_391, %add3A_442 : i32
        %dma_start3A_444 = arith.constant 0 : i32
        %dma_start3A_445 = arith.constant 0 : i32
        %dma_start3A_446 = arith.constant 0 : i32
        %dma_start3A_447 = tpu.memref_slice %arg6[%and3A_436, %dma_start3A_445, %dma_start3A_446] : memref<4x40x128xf32, #tpu.memory_space<vmem>> -> memref<1x40x128xf32, #tpu.memory_space<vmem>>
        %dma_start3A_448 = tpu.memref_squeeze %dma_start3A_447 : memref<1x40x128xf32, #tpu.memory_space<vmem>> -> memref<40x128xf32, #tpu.memory_space<vmem>>
        %dma_start3A_449 = arith.constant 0 : i32
        %dma_start3A_450 = tpu.memref_slice %arg5[%add3A_443, %dma_start3A_444, %dma_start3A_449] : memref<250x2x40xi32, #tpu.memory_space<vmem>> -> memref<1x1x40xi32, #tpu.memory_space<vmem>>
        %dma_start3A_451 = tpu.memref_squeeze %dma_start3A_450 : memref<1x1x40xi32, #tpu.memory_space<vmem>> -> memref<40xi32, #tpu.memory_space<vmem>>
        %dma_start3A_452 = arith.constant 0 : i32
        %dma_start3A_453 = arith.constant 0 : i32
        %dma_start3A_454 = tpu.memref_slice %arg2[%dma_start3A_452, %dma_start3A_453] : memref<20000x128xf32, #tpu.memory_space<hbm>> -> memref<20000x128xf32, #tpu.memory_space<hbm>>
        %dma_start3A_455 = tpu.memref_slice %arg7[%and3A_436] : memref<4x!tpu.dma_semaphore, #tpu.memory_space<semaphore_mem>> -> memref<1x!tpu.dma_semaphore, #tpu.memory_space<semaphore_mem>>
        %dma_start3A_456 = tpu.memref_squeeze %dma_start3A_455 : memref<1x!tpu.dma_semaphore, #tpu.memory_space<semaphore_mem>> -> memref<!tpu.dma_semaphore, #tpu.memory_space<semaphore_mem>>
        tpu.enqueue_indirect_dma source(%dma_start3A_454 : memref<20000x128xf32, #tpu.memory_space<hbm>>) target(%dma_start3A_448 : memref<40x128xf32, #tpu.memory_space<vmem>>) offsets(%dma_start3A_451 : memref<40xi32, #tpu.memory_space<vmem>>) semaphore(%dma_start3A_456 : memref<!tpu.dma_semaphore, #tpu.memory_space<semaphore_mem>>)
      } else {
      }
    }
    %scan3A_152 = arith.constant 250 : i32
    %dma_wait3A = arith.constant 1 : i32
    %dma_wait3A_153 = arith.constant 1 : i32
    %dma_wait3A_154 = arith.constant 0 : i32
    %dma_wait3A_155 = arith.constant 0 : i32
    %dma_wait3A_156 = tpu.memref_slice %arg6[%dma_wait3A, %dma_wait3A_154, %dma_wait3A_155] : memref<4x40x128xf32, #tpu.memory_space<vmem>> -> memref<1x40x128xf32, #tpu.memory_space<vmem>>
    %dma_wait3A_157 = tpu.memref_squeeze %dma_wait3A_156 : memref<1x40x128xf32, #tpu.memory_space<vmem>> -> memref<40x128xf32, #tpu.memory_space<vmem>>
    %dma_wait3A_158 = arith.constant 0 : i32
    %dma_wait3A_159 = arith.constant 0 : i32
    %dma_wait3A_160 = tpu.memref_slice %arg2[%dma_wait3A_158, %dma_wait3A_159] : memref<20000x128xf32, #tpu.memory_space<hbm>> -> memref<40x128xf32, #tpu.memory_space<hbm>>
    %dma_wait3A_161 = tpu.memref_slice %arg8[%dma_wait3A_153] : memref<4x!tpu.dma_semaphore, #tpu.memory_space<semaphore_mem>> -> memref<1x!tpu.dma_semaphore, #tpu.memory_space<semaphore_mem>>
    %dma_wait3A_162 = tpu.memref_squeeze %dma_wait3A_161 : memref<1x!tpu.dma_semaphore, #tpu.memory_space<semaphore_mem>> -> memref<!tpu.dma_semaphore, #tpu.memory_space<semaphore_mem>>
    %dma_wait3A_163 = arith.constant 0 : i32
    %dma_wait3A_164 = arith.constant 0 : i32
    %dma_wait3A_165 = tpu.memref_slice %arg6[%dma_wait3A, %dma_wait3A_163, %dma_wait3A_164] : memref<4x40x128xf32, #tpu.memory_space<vmem>> -> memref<1x40x128xf32, #tpu.memory_space<vmem>>
    %dma_wait3A_166 = tpu.memref_squeeze %dma_wait3A_165 : memref<1x40x128xf32, #tpu.memory_space<vmem>> -> memref<40x128xf32, #tpu.memory_space<vmem>>
    %dma_wait3A_167 = arith.constant 0 : i32
    %dma_wait3A_168 = arith.constant 0 : i32
    %dma_wait3A_169 = tpu.memref_slice %arg2[%dma_wait3A_167, %dma_wait3A_168] : memref<20000x128xf32, #tpu.memory_space<hbm>> -> memref<40x128xf32, #tpu.memory_space<hbm>>
    tpu.wait_dma2 semaphore(%dma_wait3A_162 : memref<!tpu.dma_semaphore, #tpu.memory_space<semaphore_mem>>) src(%dma_wait3A_169 : memref<40x128xf32, #tpu.memory_space<hbm>>) dst(%dma_wait3A_166 : memref<40x128xf32, #tpu.memory_space<vmem>>)
    %shift_right_logical3A = arith.constant 249 : i32
    %shift_right_logical3A_170 = arith.constant 1 : i32
    %shift_right_logical3A_171 = arith.shrui %shift_right_logical3A, %shift_right_logical3A_170 : i32
    %mul3A_172 = arith.constant 5000 : i32
    %mul3A_173 = arith.muli %add3A, %mul3A_172 : i32
    %add3A_174 = arith.constant 180000 : i32
    %add3A_175 = arith.addi %add3A_174, %mul3A_173 : i32
    %mul3A_176 = arith.constant 40 : i32
    %mul3A_177 = arith.muli %shift_right_logical3A_171, %mul3A_176 : i32
    %add3A_178 = arith.addi %add3A_175, %mul3A_177 : i32
    %dma_start3A_179 = arith.constant 1 : i32
    %dma_start3A_180 = arith.constant 1 : i32
    %dma_start3A_181 = arith.constant 0 : i32
    %dma_start3A_182 = arith.constant 0 : i32
    %dma_start3A_183 = tpu.memref_slice %arg6[%dma_start3A_179, %dma_start3A_181, %dma_start3A_182] : memref<4x40x128xf32, #tpu.memory_space<vmem>> -> memref<1x40x128xf32, #tpu.memory_space<vmem>>
    %dma_start3A_184 = tpu.memref_squeeze %dma_start3A_183 : memref<1x40x128xf32, #tpu.memory_space<vmem>> -> memref<40x128xf32, #tpu.memory_space<vmem>>
    %dma_start3A_185 = arith.constant 0 : i32
    %dma_start3A_186 = tpu.memref_slice %arg4[%add3A_178, %dma_start3A_185] : memref<340000x128xf32, #tpu.memory_space<hbm>> -> memref<40x128xf32, #tpu.memory_space<hbm>>
    %dma_start3A_187 = tpu.memref_slice %arg9[%dma_start3A_180] : memref<4x!tpu.dma_semaphore, #tpu.memory_space<semaphore_mem>> -> memref<1x!tpu.dma_semaphore, #tpu.memory_space<semaphore_mem>>
    %dma_start3A_188 = tpu.memref_squeeze %dma_start3A_187 : memref<1x!tpu.dma_semaphore, #tpu.memory_space<semaphore_mem>> -> memref<!tpu.dma_semaphore, #tpu.memory_space<semaphore_mem>>
    %dma_start3A_189 = arith.constant 0 : i32
    %dma_start3A_190 = tpu.memref_slice %arg4[%add3A_178, %dma_start3A_189] : memref<340000x128xf32, #tpu.memory_space<hbm>> -> memref<40x128xf32, #tpu.memory_space<hbm>>
    %dma_start3A_191 = arith.constant 0 : i32
    %dma_start3A_192 = arith.constant 0 : i32
    %dma_start3A_193 = tpu.memref_slice %arg6[%dma_start3A_179, %dma_start3A_191, %dma_start3A_192] : memref<4x40x128xf32, #tpu.memory_space<vmem>> -> memref<1x40x128xf32, #tpu.memory_space<vmem>>
    %dma_start3A_194 = tpu.memref_squeeze %dma_start3A_193 : memref<1x40x128xf32, #tpu.memory_space<vmem>> -> memref<40x128xf32, #tpu.memory_space<vmem>>
    tpu.enqueue_dma source(%dma_start3A_194 : memref<40x128xf32, #tpu.memory_space<vmem>>) target(%dma_start3A_190 : memref<40x128xf32, #tpu.memory_space<hbm>>) target_semaphore(%dma_start3A_188 : memref<!tpu.dma_semaphore, #tpu.memory_space<semaphore_mem>>)
    %dma_wait3A_195 = arith.constant 0 : i32
    %dma_wait3A_196 = arith.constant 0 : i32
    %dma_wait3A_197 = arith.constant 0 : i32
    %dma_wait3A_198 = arith.constant 0 : i32
    %dma_wait3A_199 = tpu.memref_slice %arg6[%dma_wait3A_195, %dma_wait3A_197, %dma_wait3A_198] : memref<4x40x128xf32, #tpu.memory_space<vmem>> -> memref<1x40x128xf32, #tpu.memory_space<vmem>>
    %dma_wait3A_200 = tpu.memref_squeeze %dma_wait3A_199 : memref<1x40x128xf32, #tpu.memory_space<vmem>> -> memref<40x128xf32, #tpu.memory_space<vmem>>
    %dma_wait3A_201 = arith.constant 0 : i32
    %dma_wait3A_202 = arith.constant 0 : i32
    %dma_wait3A_203 = tpu.memref_slice %arg2[%dma_wait3A_201, %dma_wait3A_202] : memref<20000x128xf32, #tpu.memory_space<hbm>> -> memref<40x128xf32, #tpu.memory_space<hbm>>
    %dma_wait3A_204 = tpu.memref_slice %arg9[%dma_wait3A_196] : memref<4x!tpu.dma_semaphore, #tpu.memory_space<semaphore_mem>> -> memref<1x!tpu.dma_semaphore, #tpu.memory_space<semaphore_mem>>
    %dma_wait3A_205 = tpu.memref_squeeze %dma_wait3A_204 : memref<1x!tpu.dma_semaphore, #tpu.memory_space<semaphore_mem>> -> memref<!tpu.dma_semaphore, #tpu.memory_space<semaphore_mem>>
    %dma_wait3A_206 = arith.constant 0 : i32
    %dma_wait3A_207 = arith.constant 0 : i32
    %dma_wait3A_208 = tpu.memref_slice %arg6[%dma_wait3A_195, %dma_wait3A_206, %dma_wait3A_207] : memref<4x40x128xf32, #tpu.memory_space<vmem>> -> memref<1x40x128xf32, #tpu.memory_space<vmem>>
    %dma_wait3A_209 = tpu.memref_squeeze %dma_wait3A_208 : memref<1x40x128xf32, #tpu.memory_space<vmem>> -> memref<40x128xf32, #tpu.memory_space<vmem>>
    %dma_wait3A_210 = arith.constant 0 : i32
    %dma_wait3A_211 = arith.constant 0 : i32
    %dma_wait3A_212 = tpu.memref_slice %arg2[%dma_wait3A_210, %dma_wait3A_211] : memref<20000x128xf32, #tpu.memory_space<hbm>> -> memref<40x128xf32, #tpu.memory_space<hbm>>
    tpu.wait_dma2 semaphore(%dma_wait3A_205 : memref<!tpu.dma_semaphore, #tpu.memory_space<semaphore_mem>>) src(%dma_wait3A_212 : memref<40x128xf32, #tpu.memory_space<hbm>>) dst(%dma_wait3A_209 : memref<40x128xf32, #tpu.memory_space<vmem>>)
    %dma_wait3A_213 = arith.constant 1 : i32
    %dma_wait3A_214 = arith.constant 1 : i32
    %dma_wait3A_215 = arith.constant 0 : i32
    %dma_wait3A_216 = arith.constant 0 : i32
    %dma_wait3A_217 = tpu.memref_slice %arg6[%dma_wait3A_213, %dma_wait3A_215, %dma_wait3A_216] : memref<4x40x128xf32, #tpu.memory_space<vmem>> -> memref<1x40x128xf32, #tpu.memory_space<vmem>>
    %dma_wait3A_218 = tpu.memref_squeeze %dma_wait3A_217 : memref<1x40x128xf32, #tpu.memory_space<vmem>> -> memref<40x128xf32, #tpu.memory_space<vmem>>
    %dma_wait3A_219 = arith.constant 0 : i32
    %dma_wait3A_220 = arith.constant 0 : i32
    %dma_wait3A_221 = tpu.memref_slice %arg2[%dma_wait3A_219, %dma_wait3A_220] : memref<20000x128xf32, #tpu.memory_space<hbm>> -> memref<40x128xf32, #tpu.memory_space<hbm>>
    %dma_wait3A_222 = tpu.memref_slice %arg9[%dma_wait3A_214] : memref<4x!tpu.dma_semaphore, #tpu.memory_space<semaphore_mem>> -> memref<1x!tpu.dma_semaphore, #tpu.memory_space<semaphore_mem>>
    %dma_wait3A_223 = tpu.memref_squeeze %dma_wait3A_222 : memref<1x!tpu.dma_semaphore, #tpu.memory_space<semaphore_mem>> -> memref<!tpu.dma_semaphore, #tpu.memory_space<semaphore_mem>>
    %dma_wait3A_224 = arith.constant 0 : i32
    %dma_wait3A_225 = arith.constant 0 : i32
    %dma_wait3A_226 = tpu.memref_slice %arg6[%dma_wait3A_213, %dma_wait3A_224, %dma_wait3A_225] : memref<4x40x128xf32, #tpu.memory_space<vmem>> -> memref<1x40x128xf32, #tpu.memory_space<vmem>>
    %dma_wait3A_227 = tpu.memref_squeeze %dma_wait3A_226 : memref<1x40x128xf32, #tpu.memory_space<vmem>> -> memref<40x128xf32, #tpu.memory_space<vmem>>
    %dma_wait3A_228 = arith.constant 0 : i32
    %dma_wait3A_229 = arith.constant 0 : i32
    %dma_wait3A_230 = tpu.memref_slice %arg2[%dma_wait3A_228, %dma_wait3A_229] : memref<20000x128xf32, #tpu.memory_space<hbm>> -> memref<40x128xf32, #tpu.memory_space<hbm>>
    tpu.wait_dma2 semaphore(%dma_wait3A_223 : memref<!tpu.dma_semaphore, #tpu.memory_space<semaphore_mem>>) src(%dma_wait3A_230 : memref<40x128xf32, #tpu.memory_space<hbm>>) dst(%dma_wait3A_227 : memref<40x128xf32, #tpu.memory_space<vmem>>)
    %dma_wait3A_231 = arith.constant 2 : i32
    %dma_wait3A_232 = arith.constant 2 : i32
    %dma_wait3A_233 = arith.constant 0 : i32
    %dma_wait3A_234 = arith.constant 0 : i32
    %dma_wait3A_235 = tpu.memref_slice %arg6[%dma_wait3A_231, %dma_wait3A_233, %dma_wait3A_234] : memref<4x40x128xf32, #tpu.memory_space<vmem>> -> memref<1x40x128xf32, #tpu.memory_space<vmem>>
    %dma_wait3A_236 = tpu.memref_squeeze %dma_wait3A_235 : memref<1x40x128xf32, #tpu.memory_space<vmem>> -> memref<40x128xf32, #tpu.memory_space<vmem>>
    %dma_wait3A_237 = arith.constant 0 : i32
    %dma_wait3A_238 = arith.constant 0 : i32
    %dma_wait3A_239 = tpu.memref_slice %arg2[%dma_wait3A_237, %dma_wait3A_238] : memref<20000x128xf32, #tpu.memory_space<hbm>> -> memref<40x128xf32, #tpu.memory_space<hbm>>
    %dma_wait3A_240 = tpu.memref_slice %arg9[%dma_wait3A_232] : memref<4x!tpu.dma_semaphore, #tpu.memory_space<semaphore_mem>> -> memref<1x!tpu.dma_semaphore, #tpu.memory_space<semaphore_mem>>
    %dma_wait3A_241 = tpu.memref_squeeze %dma_wait3A_240 : memref<1x!tpu.dma_semaphore, #tpu.memory_space<semaphore_mem>> -> memref<!tpu.dma_semaphore, #tpu.memory_space<semaphore_mem>>
    %dma_wait3A_242 = arith.constant 0 : i32
    %dma_wait3A_243 = arith.constant 0 : i32
    %dma_wait3A_244 = tpu.memref_slice %arg6[%dma_wait3A_231, %dma_wait3A_242, %dma_wait3A_243] : memref<4x40x128xf32, #tpu.memory_space<vmem>> -> memref<1x40x128xf32, #tpu.memory_space<vmem>>
    %dma_wait3A_245 = tpu.memref_squeeze %dma_wait3A_244 : memref<1x40x128xf32, #tpu.memory_space<vmem>> -> memref<40x128xf32, #tpu.memory_space<vmem>>
    %dma_wait3A_246 = arith.constant 0 : i32
    %dma_wait3A_247 = arith.constant 0 : i32
    %dma_wait3A_248 = tpu.memref_slice %arg2[%dma_wait3A_246, %dma_wait3A_247] : memref<20000x128xf32, #tpu.memory_space<hbm>> -> memref<40x128xf32, #tpu.memory_space<hbm>>
    tpu.wait_dma2 semaphore(%dma_wait3A_241 : memref<!tpu.dma_semaphore, #tpu.memory_space<semaphore_mem>>) src(%dma_wait3A_248 : memref<40x128xf32, #tpu.memory_space<hbm>>) dst(%dma_wait3A_245 : memref<40x128xf32, #tpu.memory_space<vmem>>)
    %dma_wait3A_249 = arith.constant 3 : i32
    %dma_wait3A_250 = arith.constant 3 : i32
    %dma_wait3A_251 = arith.constant 0 : i32
    %dma_wait3A_252 = arith.constant 0 : i32
    %dma_wait3A_253 = tpu.memref_slice %arg6[%dma_wait3A_249, %dma_wait3A_251, %dma_wait3A_252] : memref<4x40x128xf32, #tpu.memory_space<vmem>> -> memref<1x40x128xf32, #tpu.memory_space<vmem>>
    %dma_wait3A_254 = tpu.memref_squeeze %dma_wait3A_253 : memref<1x40x128xf32, #tpu.memory_space<vmem>> -> memref<40x128xf32, #tpu.memory_space<vmem>>
    %dma_wait3A_255 = arith.constant 0 : i32
    %dma_wait3A_256 = arith.constant 0 : i32
    %dma_wait3A_257 = tpu.memref_slice %arg2[%dma_wait3A_255, %dma_wait3A_256] : memref<20000x128xf32, #tpu.memory_space<hbm>> -> memref<40x128xf32, #tpu.memory_space<hbm>>
    %dma_wait3A_258 = tpu.memref_slice %arg9[%dma_wait3A_250] : memref<4x!tpu.dma_semaphore, #tpu.memory_space<semaphore_mem>> -> memref<1x!tpu.dma_semaphore, #tpu.memory_space<semaphore_mem>>
    %dma_wait3A_259 = tpu.memref_squeeze %dma_wait3A_258 : memref<1x!tpu.dma_semaphore, #tpu.memory_space<semaphore_mem>> -> memref<!tpu.dma_semaphore, #tpu.memory_space<semaphore_mem>>
    %dma_wait3A_260 = arith.constant 0 : i32
    %dma_wait3A_261 = arith.constant 0 : i32
    %dma_wait3A_262 = tpu.memref_slice %arg6[%dma_wait3A_249, %dma_wait3A_260, %dma_wait3A_261] : memref<4x40x128xf32, #tpu.memory_space<vmem>> -> memref<1x40x128xf32, #tpu.memory_space<vmem>>
    %dma_wait3A_263 = tpu.memref_squeeze %dma_wait3A_262 : memref<1x40x128xf32, #tpu.memory_space<vmem>> -> memref<40x128xf32, #tpu.memory_space<vmem>>
    %dma_wait3A_264 = arith.constant 0 : i32
    %dma_wait3A_265 = arith.constant 0 : i32
    %dma_wait3A_266 = tpu.memref_slice %arg2[%dma_wait3A_264, %dma_wait3A_265] : memref<20000x128xf32, #tpu.memory_space<hbm>> -> memref<40x128xf32, #tpu.memory_space<hbm>>
    tpu.wait_dma2 semaphore(%dma_wait3A_259 : memref<!tpu.dma_semaphore, #tpu.memory_space<semaphore_mem>>) src(%dma_wait3A_266 : memref<40x128xf32, #tpu.memory_space<hbm>>) dst(%dma_wait3A_263 : memref<40x128xf32, #tpu.memory_space<vmem>>)
    %add3A_267 = arith.constant 0 : i32
    %add3A_268 = arith.addi %add3A, %add3A_267 : i32
    %mul3A_269 = arith.constant 80 : i32
    %mul3A_270 = arith.muli %add3A_268, %mul3A_269 : i32
    %add3A_271 = arith.constant 0 : i32
    %add3A_272 = arith.addi %add3A_271, %mul3A_270 : i32
    %mul3A_273 = arith.constant 80 : i32
    %mul3A_274 = arith.muli %add3A_268, %mul3A_273 : i32
    %add3A_275 = arith.constant 0 : i32
    %add3A_276 = arith.addi %add3A_275, %mul3A_274 : i32
    %lt3A_277 = arith.constant 125 : i32
    %lt3A_278 = arith.cmpi slt, %add3A_268, %lt3A_277 : i32
    %convert_element_type3A_279 = arith.extui %lt3A_278 : i1 to i32
    %cond3A_280 = arith.constant 0 : i32
    %cond3A_281 = arith.cmpi ne, %convert_element_type3A_279, %cond3A_280 : i32
    scf.if %cond3A_281 {
      %dma_wait3A_387 = arith.constant 0 : i32
      %dma_wait3A_388 = tpu.memref_slice %arg4[%add3A_276, %dma_wait3A_387] : memref<340000x128xf32, #tpu.memory_space<hbm>> -> memref<80x128xf32, #tpu.memory_space<hbm>>
      %dma_wait3A_389 = arith.constant 0 : i32
      %dma_wait3A_390 = tpu.memref_slice %arg2[%add3A_272, %dma_wait3A_389] : memref<20000x128xf32, #tpu.memory_space<hbm>> -> memref<80x128xf32, #tpu.memory_space<hbm>>
      tpu.wait_dma2 semaphore(%arg10 : memref<!tpu.dma_semaphore, #tpu.memory_space<semaphore_mem>>) src(%dma_wait3A_390 : memref<80x128xf32, #tpu.memory_space<hbm>>) dst(%dma_wait3A_388 : memref<80x128xf32, #tpu.memory_space<hbm>>)
    } else {
    }
    %add3A_282 = arith.constant 32 : i32
    %add3A_283 = arith.addi %add3A, %add3A_282 : i32
    %mul3A_284 = arith.constant 80 : i32
    %mul3A_285 = arith.muli %add3A_283, %mul3A_284 : i32
    %add3A_286 = arith.constant 0 : i32
    %add3A_287 = arith.addi %add3A_286, %mul3A_285 : i32
    %mul3A_288 = arith.constant 80 : i32
    %mul3A_289 = arith.muli %add3A_283, %mul3A_288 : i32
    %add3A_290 = arith.constant 0 : i32
    %add3A_291 = arith.addi %add3A_290, %mul3A_289 : i32
    %lt3A_292 = arith.constant 125 : i32
    %lt3A_293 = arith.cmpi slt, %add3A_283, %lt3A_292 : i32
    %convert_element_type3A_294 = arith.extui %lt3A_293 : i1 to i32
    %cond3A_295 = arith.constant 0 : i32
    %cond3A_296 = arith.cmpi ne, %convert_element_type3A_294, %cond3A_295 : i32
    scf.if %cond3A_296 {
      %dma_wait3A_387 = arith.constant 0 : i32
      %dma_wait3A_388 = tpu.memref_slice %arg4[%add3A_291, %dma_wait3A_387] : memref<340000x128xf32, #tpu.memory_space<hbm>> -> memref<80x128xf32, #tpu.memory_space<hbm>>
      %dma_wait3A_389 = arith.constant 0 : i32
      %dma_wait3A_390 = tpu.memref_slice %arg2[%add3A_287, %dma_wait3A_389] : memref<20000x128xf32, #tpu.memory_space<hbm>> -> memref<80x128xf32, #tpu.memory_space<hbm>>
      tpu.wait_dma2 semaphore(%arg10 : memref<!tpu.dma_semaphore, #tpu.memory_space<semaphore_mem>>) src(%dma_wait3A_390 : memref<80x128xf32, #tpu.memory_space<hbm>>) dst(%dma_wait3A_388 : memref<80x128xf32, #tpu.memory_space<hbm>>)
    } else {
    }
    %add3A_297 = arith.constant 64 : i32
    %add3A_298 = arith.addi %add3A, %add3A_297 : i32
    %mul3A_299 = arith.constant 80 : i32
    %mul3A_300 = arith.muli %add3A_298, %mul3A_299 : i32
    %add3A_301 = arith.constant 0 : i32
    %add3A_302 = arith.addi %add3A_301, %mul3A_300 : i32
    %mul3A_303 = arith.constant 80 : i32
    %mul3A_304 = arith.muli %add3A_298, %mul3A_303 : i32
    %add3A_305 = arith.constant 0 : i32
    %add3A_306 = arith.addi %add3A_305, %mul3A_304 : i32
    %lt3A_307 = arith.constant 125 : i32
    %lt3A_308 = arith.cmpi slt, %add3A_298, %lt3A_307 : i32
    %convert_element_type3A_309 = arith.extui %lt3A_308 : i1 to i32
    %cond3A_310 = arith.constant 0 : i32
    %cond3A_311 = arith.cmpi ne, %convert_element_type3A_309, %cond3A_310 : i32
    scf.if %cond3A_311 {
      %dma_wait3A_387 = arith.constant 0 : i32
      %dma_wait3A_388 = tpu.memref_slice %arg4[%add3A_306, %dma_wait3A_387] : memref<340000x128xf32, #tpu.memory_space<hbm>> -> memref<80x128xf32, #tpu.memory_space<hbm>>
      %dma_wait3A_389 = arith.constant 0 : i32
      %dma_wait3A_390 = tpu.memref_slice %arg2[%add3A_302, %dma_wait3A_389] : memref<20000x128xf32, #tpu.memory_space<hbm>> -> memref<80x128xf32, #tpu.memory_space<hbm>>
      tpu.wait_dma2 semaphore(%arg10 : memref<!tpu.dma_semaphore, #tpu.memory_space<semaphore_mem>>) src(%dma_wait3A_390 : memref<80x128xf32, #tpu.memory_space<hbm>>) dst(%dma_wait3A_388 : memref<80x128xf32, #tpu.memory_space<hbm>>)
    } else {
    }
    %add3A_312 = arith.constant 96 : i32
    %add3A_313 = arith.addi %add3A, %add3A_312 : i32
    %mul3A_314 = arith.constant 80 : i32
    %mul3A_315 = arith.muli %add3A_313, %mul3A_314 : i32
    %add3A_316 = arith.constant 0 : i32
    %add3A_317 = arith.addi %add3A_316, %mul3A_315 : i32
    %mul3A_318 = arith.constant 80 : i32
    %mul3A_319 = arith.muli %add3A_313, %mul3A_318 : i32
    %add3A_320 = arith.constant 0 : i32
    %add3A_321 = arith.addi %add3A_320, %mul3A_319 : i32
    %lt3A_322 = arith.constant 125 : i32
    %lt3A_323 = arith.cmpi slt, %add3A_313, %lt3A_322 : i32
    %convert_element_type3A_324 = arith.extui %lt3A_323 : i1 to i32
    %cond3A_325 = arith.constant 0 : i32
    %cond3A_326 = arith.cmpi ne, %convert_element_type3A_324, %cond3A_325 : i32
    scf.if %cond3A_326 {
      %dma_wait3A_387 = arith.constant 0 : i32
      %dma_wait3A_388 = tpu.memref_slice %arg4[%add3A_321, %dma_wait3A_387] : memref<340000x128xf32, #tpu.memory_space<hbm>> -> memref<80x128xf32, #tpu.memory_space<hbm>>
      %dma_wait3A_389 = arith.constant 0 : i32
      %dma_wait3A_390 = tpu.memref_slice %arg2[%add3A_317, %dma_wait3A_389] : memref<20000x128xf32, #tpu.memory_space<hbm>> -> memref<80x128xf32, #tpu.memory_space<hbm>>
      tpu.wait_dma2 semaphore(%arg10 : memref<!tpu.dma_semaphore, #tpu.memory_space<semaphore_mem>>) src(%dma_wait3A_390 : memref<80x128xf32, #tpu.memory_space<hbm>>) dst(%dma_wait3A_388 : memref<80x128xf32, #tpu.memory_space<hbm>>)
    } else {
    }
    %add3A_327 = arith.constant 0 : i32
    %add3A_328 = arith.addi %add3A, %add3A_327 : i32
    %mul3A_329 = arith.constant 80 : i32
    %mul3A_330 = arith.muli %add3A_328, %mul3A_329 : i32
    %add3A_331 = arith.constant 10000 : i32
    %add3A_332 = arith.addi %add3A_331, %mul3A_330 : i32
    %mul3A_333 = arith.constant 80 : i32
    %mul3A_334 = arith.muli %add3A_328, %mul3A_333 : i32
    %add3A_335 = arith.constant 170000 : i32
    %add3A_336 = arith.addi %add3A_335, %mul3A_334 : i32
    %lt3A_337 = arith.constant 125 : i32
    %lt3A_338 = arith.cmpi slt, %add3A_328, %lt3A_337 : i32
    %convert_element_type3A_339 = arith.extui %lt3A_338 : i1 to i32
    %cond3A_340 = arith.constant 0 : i32
    %cond3A_341 = arith.cmpi ne, %convert_element_type3A_339, %cond3A_340 : i32
    scf.if %cond3A_341 {
      %dma_wait3A_387 = arith.constant 0 : i32
      %dma_wait3A_388 = tpu.memref_slice %arg4[%add3A_336, %dma_wait3A_387] : memref<340000x128xf32, #tpu.memory_space<hbm>> -> memref<80x128xf32, #tpu.memory_space<hbm>>
      %dma_wait3A_389 = arith.constant 0 : i32
      %dma_wait3A_390 = tpu.memref_slice %arg2[%add3A_332, %dma_wait3A_389] : memref<20000x128xf32, #tpu.memory_space<hbm>> -> memref<80x128xf32, #tpu.memory_space<hbm>>
      tpu.wait_dma2 semaphore(%arg10 : memref<!tpu.dma_semaphore, #tpu.memory_space<semaphore_mem>>) src(%dma_wait3A_390 : memref<80x128xf32, #tpu.memory_space<hbm>>) dst(%dma_wait3A_388 : memref<80x128xf32, #tpu.memory_space<hbm>>)
    } else {
    }
    %add3A_342 = arith.constant 32 : i32
    %add3A_343 = arith.addi %add3A, %add3A_342 : i32
    %mul3A_344 = arith.constant 80 : i32
    %mul3A_345 = arith.muli %add3A_343, %mul3A_344 : i32
    %add3A_346 = arith.constant 10000 : i32
    %add3A_347 = arith.addi %add3A_346, %mul3A_345 : i32
    %mul3A_348 = arith.constant 80 : i32
    %mul3A_349 = arith.muli %add3A_343, %mul3A_348 : i32
    %add3A_350 = arith.constant 170000 : i32
    %add3A_351 = arith.addi %add3A_350, %mul3A_349 : i32
    %lt3A_352 = arith.constant 125 : i32
    %lt3A_353 = arith.cmpi slt, %add3A_343, %lt3A_352 : i32
    %convert_element_type3A_354 = arith.extui %lt3A_353 : i1 to i32
    %cond3A_355 = arith.constant 0 : i32
    %cond3A_356 = arith.cmpi ne, %convert_element_type3A_354, %cond3A_355 : i32
    scf.if %cond3A_356 {
      %dma_wait3A_387 = arith.constant 0 : i32
      %dma_wait3A_388 = tpu.memref_slice %arg4[%add3A_351, %dma_wait3A_387] : memref<340000x128xf32, #tpu.memory_space<hbm>> -> memref<80x128xf32, #tpu.memory_space<hbm>>
      %dma_wait3A_389 = arith.constant 0 : i32
      %dma_wait3A_390 = tpu.memref_slice %arg2[%add3A_347, %dma_wait3A_389] : memref<20000x128xf32, #tpu.memory_space<hbm>> -> memref<80x128xf32, #tpu.memory_space<hbm>>
      tpu.wait_dma2 semaphore(%arg10 : memref<!tpu.dma_semaphore, #tpu.memory_space<semaphore_mem>>) src(%dma_wait3A_390 : memref<80x128xf32, #tpu.memory_space<hbm>>) dst(%dma_wait3A_388 : memref<80x128xf32, #tpu.memory_space<hbm>>)
    } else {
    }
    %add3A_357 = arith.constant 64 : i32
    %add3A_358 = arith.addi %add3A, %add3A_357 : i32
    %mul3A_359 = arith.constant 80 : i32
    %mul3A_360 = arith.muli %add3A_358, %mul3A_359 : i32
    %add3A_361 = arith.constant 10000 : i32
    %add3A_362 = arith.addi %add3A_361, %mul3A_360 : i32
    %mul3A_363 = arith.constant 80 : i32
    %mul3A_364 = arith.muli %add3A_358, %mul3A_363 : i32
    %add3A_365 = arith.constant 170000 : i32
    %add3A_366 = arith.addi %add3A_365, %mul3A_364 : i32
    %lt3A_367 = arith.constant 125 : i32
    %lt3A_368 = arith.cmpi slt, %add3A_358, %lt3A_367 : i32
    %convert_element_type3A_369 = arith.extui %lt3A_368 : i1 to i32
    %cond3A_370 = arith.constant 0 : i32
    %cond3A_371 = arith.cmpi ne, %convert_element_type3A_369, %cond3A_370 : i32
    scf.if %cond3A_371 {
      %dma_wait3A_387 = arith.constant 0 : i32
      %dma_wait3A_388 = tpu.memref_slice %arg4[%add3A_366, %dma_wait3A_387] : memref<340000x128xf32, #tpu.memory_space<hbm>> -> memref<80x128xf32, #tpu.memory_space<hbm>>
      %dma_wait3A_389 = arith.constant 0 : i32
      %dma_wait3A_390 = tpu.memref_slice %arg2[%add3A_362, %dma_wait3A_389] : memref<20000x128xf32, #tpu.memory_space<hbm>> -> memref<80x128xf32, #tpu.memory_space<hbm>>
      tpu.wait_dma2 semaphore(%arg10 : memref<!tpu.dma_semaphore, #tpu.memory_space<semaphore_mem>>) src(%dma_wait3A_390 : memref<80x128xf32, #tpu.memory_space<hbm>>) dst(%dma_wait3A_388 : memref<80x128xf32, #tpu.memory_space<hbm>>)
    } else {
    }
    %add3A_372 = arith.constant 96 : i32
    %add3A_373 = arith.addi %add3A, %add3A_372 : i32
    %mul3A_374 = arith.constant 80 : i32
    %mul3A_375 = arith.muli %add3A_373, %mul3A_374 : i32
    %add3A_376 = arith.constant 10000 : i32
    %add3A_377 = arith.addi %add3A_376, %mul3A_375 : i32
    %mul3A_378 = arith.constant 80 : i32
    %mul3A_379 = arith.muli %add3A_373, %mul3A_378 : i32
    %add3A_380 = arith.constant 170000 : i32
    %add3A_381 = arith.addi %add3A_380, %mul3A_379 : i32
    %lt3A_382 = arith.constant 125 : i32
    %lt3A_383 = arith.cmpi slt, %add3A_373, %lt3A_382 : i32
    %convert_element_type3A_384 = arith.extui %lt3A_383 : i1 to i32
    %cond3A_385 = arith.constant 0 : i32
    %cond3A_386 = arith.cmpi ne, %convert_element_type3A_384, %cond3A_385 : i32
    scf.if %cond3A_386 {
      %dma_wait3A_387 = arith.constant 0 : i32
      %dma_wait3A_388 = tpu.memref_slice %arg4[%add3A_381, %dma_wait3A_387] : memref<340000x128xf32, #tpu.memory_space<hbm>> -> memref<80x128xf32, #tpu.memory_space<hbm>>
      %dma_wait3A_389 = arith.constant 0 : i32
      %dma_wait3A_390 = tpu.memref_slice %arg2[%add3A_377, %dma_wait3A_389] : memref<20000x128xf32, #tpu.memory_space<hbm>> -> memref<80x128xf32, #tpu.memory_space<hbm>>
      tpu.wait_dma2 semaphore(%arg10 : memref<!tpu.dma_semaphore, #tpu.memory_space<semaphore_mem>>) src(%dma_wait3A_390 : memref<80x128xf32, #tpu.memory_space<hbm>>) dst(%dma_wait3A_388 : memref<80x128xf32, #tpu.memory_space<hbm>>)
    } else {
    }
    return
  }
}

</mosaic_0001>

<sc_bundles>
// kernel: kernel.3.cloned.1.call-start
scs
__scs_entry_jumppad:
0x0: {  	(pc) =	sbr.rel $0x88, $3  }
0x1: {  	(tag) =	ssettag $0x0;
	lr =	simm.s32 $0x1  }
0x2: {  	[smem:$0x3F9F] =	sst lr;
	_ =	strace $0xD0000000  }
0x3: {  	_ = 	snop  }
0x4: {  	_ = 	snop  }
0x5: {  	_ = 	snop  }
0x6: {  	_ = 	snop  }
0x7: {  	_ = 	snop  }
__scs_overlays_trampoline_lowered:
0x8: {  	[smem:$0x3FAE] =	sst s0  }
0x9: {  	[smem:$0x3FAF] =	sst s1  }
0xa: {  	[smem:$0x3FB0] =	sst s2  }
0xb: {  	[smem:$0x3FB1] =	sst s3  }
0xc: {  	[smem:$0x3FB2] =	sst s4  }
0xd: {  	[smem:$0x3FB3] =	sst s5  }
0xe: {  	[smem:$0x3FB4] =	sst s6  }
0xf: {  	[smem:$0x3FB5] =	sst s7  }
0x10: {  	[smem:$0x3FB6] =	sst s8  }
0x11: {  	[smem:$0x3FB7] =	sst s9;
	s0 =	simm.s32 @!p0 $0x0  }
0x12: {  	s1 =	sld [smem:$0x3F9D];
	s0 =	simm.s32 @p0 $0x1  }
0x13: {  	[smem:$0x3FB8] =	sst s0;
	s0 =	simm.s32 @!p1 $0x0  }
0x14: {  	s2 =	sld [smem:$0x3F9C];
	s0 =	simm.s32 @p1 $0x1  }
0x15: {  	[smem:$0x3FB9] =	sst s0;
	s0 =	simm.s32 @!p2 $0x0  }
0x16: {  	s3 =	sld [smem:$0x3FDB];
	s0 =	simm.s32 @p2 $0x1  }
0x17: {  	s4 =	simm.s32 $0x1BF5;
	[smem:$0x3FBB] =	sst s0  }
0x18: {  	s0 =	sld [smem:$0x3F9E];
	_ =	swait.ge [sflag:s4], $0x0  }
0x19: {  	s7 =	sld [smem:$0x3F9F]  }
0x1a: {  	s8 =	sadd.s32 $0xFFFFE003, lr  }
0x1b: {  	s9 =	sadd.s32 $0xFFFFFEF7, lr;
	s5 =	simm.s32 $0xFFFFFFFF;
	p2 =	slt.u32 s8, $0xFFFFF086  }
0x1c: {  	p1 =	slt.u32 s9, $0xF7A;
	s5 =	simm.s32 @!p2 $0x0  }
0x1d: {  	s5 =	simm.s32 @p1 $0x1;
	p0 =	seq.s32 s7, s2  }
0x1e: {  	s7 =	smul.u32 @!p0 $0xF7A, s2;
	p2 =	seq.s32 @!p0 s5, $0x0  }
0x1f: {  	s9 =	smul.u32 $0xF7A, s1;
	s8 =	simm.s32 @!p0 $0x1BF5;
	p2 =	por !p2, p0  }
0x20: {  	[sflag:s8] =	ssyncset.s32 @!p0 $0xFFFFF086;
	s6 =	sadd.s32 @!p0 s3, s7;
	s7 =	simm.s32 @!p0 $0x108  }
0x21: {  	s3 =	sadd.s32 s3, s9;
	s6 =	sadd.s32 @!p0 $0x88, s6;
	s7 =	simm.s32 @p2 $0x1082  }
0x22: {  	[simem:s7], [sflag:s8] =	dma.local @!p0 [hbm:s6], $0xF7A  }
0x23: {  	s9 =	sor.u32 $0xD0000000, s2;
	s6 =	simm.s32 $0x108;
	_ =	swait.ge @!p0 [sflag:s8], $0x0  }
0x24: {  	s3 =	sadd.s32 $0x88, s3;
	s6 =	simm.s32 @!p1 $0x1082;
	[sflag:s4] =	ssyncset.s32 $0xFFFFF086  }
0x25: {  	[simem:s6], [sflag:s4] =	dma.local [hbm:s3], $0xF7A  }
0x26: {  	[smem:$0x3F9F] =	sst s1;
	(tag) =	ssettag s2;
	_ =	strace s9  }
0x27: {  	s1 =	sld [smem:$0x3FAF]  }
0x28: {  	s2 =	sld [smem:$0x3FB0]  }
0x29: {  	s4 =	sld [smem:$0x3FB2]  }
0x2a: {  	p0 =	seq.s32 s5, $0x0;
	s5 =	sld [smem:$0x3FB3]  }
0x2b: {  	s6 =	sld [smem:$0x3FB4]  }
0x2c: {  	s7 =	sld [smem:$0x3FB5]  }
0x2d: {  	s3 =	simm.s32 $0x108;
	s8 =	sld [smem:$0x3FB6]  }
0x2e: {  	s3 =	simm.s32 @!p0 $0x1082;
	s9 =	sld [smem:$0x3FB7]  }
0x2f: {  	lr =	sadd.s32 s0, s3;
	s0 =	sld [smem:$0x3FAE]  }
0x30: {  	s3 =	sld [smem:$0x3FB1]  }
0x31: {  	[smem:$0x3FBA] =	sst s10  }
0x32: {  	s10 =	sld [smem:$0x3FB8];
	_ =	sdelay $0x3  }
0x33: {  	p0 =	seq.s32 s10, $0x1;
	s10 =	sld [smem:$0x3FBA];
	_ =	sdelay $0x3  }
0x34: {  	[smem:$0x3FBA] =	sst s10  }
0x35: {  	s10 =	sld [smem:$0x3FB9];
	_ =	sdelay $0x3  }
0x36: {  	p1 =	seq.s32 s10, $0x1;
	s10 =	sld [smem:$0x3FBA];
	_ =	sdelay $0x3  }
0x37: {  	[smem:$0x3FBA] =	sst s10  }
0x38: {  	s10 =	sld [smem:$0x3FBB]  }
0x39: {  	_ = 	snop;
	(pc) =	sbr.ind lr, $3  }
0x3a: {  	_ = 	snop  }
0x3b: {  	_ = 	snop  }
0x3c: {  	p2 =	seq.s32 s10, $0x1;
	s10 =	sld [smem:$0x3FBA]  }
0x3d: {  	_ =	shalt  }
0x3e: {  	_ =	shalt  }
0x3f: {  	_ =	shalt  }
0x40: {  	_ =	shalt  }
0x41: {  	_ =	shalt  }
0x42: {  	_ =	shalt  }
0x43: {  	_ =	shalt  }
0x44: {  	_ =	shalt  }
0x45: {  	_ =	shalt  }
0x46: {  	_ =	shalt  }
0x47: {  	_ =	shalt  }
0x48: {  	_ =	shalt  }
0x49: {  	_ =	shalt  }
0x4a: {  	_ =	shalt  }
0x4b: {  	_ =	shalt  }
0x4c: {  	_ =	shalt  }
0x4d: {  	_ =	shalt  }
0x4e: {  	_ =	shalt  }
0x4f: {  	_ =	shalt  }
0x50: {  	_ =	shalt  }
0x51: {  	_ =	shalt  }
0x52: {  	_ =	shalt  }
0x53: {  	_ =	shalt  }
0x54: {  	_ =	shalt  }
0x55: {  	_ =	shalt  }
0x56: {  	_ =	shalt  }
0x57: {  	_ =	shalt  }
0x58: {  	_ =	shalt  }
0x59: {  	_ =	shalt  }
0x5a: {  	_ =	shalt  }
0x5b: {  	_ =	shalt  }
0x5c: {  	_ =	shalt  }
0x5d: {  	_ =	shalt  }
0x5e: {  	_ =	shalt  }
0x5f: {  	_ =	shalt  }
0x60: {  	_ =	shalt  }
0x61: {  	_ =	shalt  }
0x62: {  	_ =	shalt  }
0x63: {  	_ =	shalt  }
0x64: {  	_ =	shalt  }
0x65: {  	_ =	shalt  }
0x66: {  	_ =	shalt  }
0x67: {  	_ =	shalt  }
0x68: {  	_ =	shalt  }
0x69: {  	_ =	shalt  }
0x6a: {  	_ =	shalt  }
0x6b: {  	_ =	shalt  }
0x6c: {  	_ =	shalt  }
0x6d: {  	_ =	shalt  }
0x6e: {  	_ =	shalt  }
0x6f: {  	_ =	shalt  }
0x70: {  	_ =	shalt  }
0x71: {  	_ =	shalt  }
0x72: {  	_ =	shalt  }
0x73: {  	_ =	shalt  }
0x74: {  	_ =	shalt  }
0x75: {  	_ =	shalt  }
0x76: {  	_ =	shalt  }
0x77: {  	_ =	shalt  }
0x78: {  	_ =	shalt  }
0x79: {  	_ =	shalt  }
0x7a: {  	_ =	shalt  }
0x7b: {  	_ =	shalt  }
0x7c: {  	_ =	shalt  }
0x7d: {  	_ =	shalt  }
0x7e: {  	_ =	shalt  }
0x7f: {  	_ =	shalt  }
0x80: {  	_ =	shalt  }
0x81: {  	_ =	shalt  }
0x82: {  	_ =	shalt  }
0x83: {  	_ =	shalt  }
0x84: {  	_ =	shalt  }
0x85: {  	_ =	shalt  }
0x86: {  	_ =	shalt  }
0x87: {  	_ =	shalt  }
.Lfunc_end0:
.L_simem_size_0:
called_computation_lowered:
.L_overlay_start_0:
0x88: {  	s2 =	sld [smem:$0x3FD9]  }
0x89: {  	s3 =	sld [smem:$0x3FFE];
	_ =	sdelay $0x1  }
0x8a: {  	s1 =	srdreg.scid  }
0x8b: {  	s0 =	sand.u32 $0x1, s1  }
0x8c: {  	s17 =	sshll.u32 s0, $0xA;
	s2 =	sadd.s32 s3, s2  }
0x8d: {  	s2 =	sadd.s32 s2, s17  }
0x8e: {  	[smem:$0x3FC6] =	sst s2  }
0x8f: {  	_ = 	snop  }
0x90: {  	s2 =	sld [smem:$0x3FC9]  }
0x91: {  	s18 =	sld [smem:$0x3FD0];
	(tm) =	ssettm $0x1  }
0x92: {  	s4 =	sld [smem:$0x3FFB];
	_ =	sdelay $0x3  }
0x93: {  	_ =	strace s4  }
0x94: {  	s4 =	sld [smem:$0x3FFC];
	_ =	sdelay $0x3  }
0x95: {  	_ =	strace s4  }
0x96: {  	s4 =	sld [smem:$0x3FFD];
	_ =	sdelay $0x3  }
0x97: {  	_ =	strace s4  }
0x98: {  	_ =	strace $0x8FFFFFFF  }
0x99: {  	s19 =	sld [smem:$0x3FDB];
	_ =	sdelay $0x1  }
0x9a: {  	s5 =	simm.s32 $_scs_section_size  }
0x9b: {  	s6 =	simm.s32 $_size__tile_overlayer_lowered;
	s7 =	simm.s32 $_tile_overlayer_lowered  }
0x9c: {  	s22 =	simm.s32 $0x1BFF;
	s21 =	sshll.u32 s7, $0x1;
	s4 =	sadd.s32 s5, s19  }
0x9d: {  	s8 =	simm.s32 $0x0;
	s20 =	sshll.u32 s6, $0x1;
	s6 =	sadd.s32 s21, s4  }
0x9e: {  	[timem:s8], [sflag:s22] =	dma.local [hbm:s6], s20  }
0x9f: {  	_ =	swait.ge [sflag:s22], s20  }
0xa0: {  	s5 =	ssub.s32 $0x0, s20;
	[sflag:s22] =	ssyncset.done $0x0  }
0xa1: {  	[sflag:s22] =	ssyncadd.s32 s5;
	_ =	sdelay $0x1  }
0xa2: {  	s23 =	simm.s32 $0x1B8B  }
0xa3: {  	_ =	swait.ge [sflag:s23], $0x1  }
0xa4: {  	[sflag:s23] =	ssyncset.done $0x0  }
0xa5: {  	s25 =	simm.s32 $0x1B8E;
	s24 =	sld [smem:$0x3FFE];
	[sflag:s23] =	ssyncadd.s32 $0xFFFFFFFF  }
0xa6: {  	s26 =	simm.s32 $execute0_lowered;
	[smem:$0x3FD2] =	sst s25  }
0xa7: {  	s6 =	sshll.u32 s26, $0x1;
	_ =	strace $0x80000046;
	[dreg:$0x1] =	wrdreg $0xFFFFFFFF  }
0xa8: {  	s28 =	simm.s32 $_size_execute0_lowered;
	s4 =	sadd.s32 s4, s6;
	[dreg:$0x0] =	wrdreg $0x0  }
0xa9: {  	s6 =	sshll.u32 s28, $0x1;
	[dreg:$0x2] =	wrdreg s4  }
0xaa: {  	[dreg:$0x3] =	wrdreg s6  }
0xab: {  	[dreg:$0x4] =	wrdreg $0xC0  }
0xac: {  	_ =	task [dreg:s8], $0x5FFFF  }
0xad: {  	[dreg:$0x1] =	wrdreg $0xFFFFFFFF  }
0xae: {  	[dreg:$0x0] =	wrdreg $0x60  }
0xaf: {  	[dreg:$0x2] =	wrdreg s2  }
0xb0: {  	[dreg:$0x3] =	wrdreg s24  }
0xb1: {  	[dreg:$0x4] =	wrdreg s18  }
0xb2: {  	[dreg:$0x5] =	wrdreg $0x9  }
0xb3: {  	_ =	task.clear_ibuf [dreg:s8], $0x6FFFF;
	_ =	strace $0x90000046  }
0xb4: {  	s29 =	simm.s32 $0x9;
	_ =	strace $0x80000048  }
0xb5: {  	_ =	swait.ge [sflag:s29], $0x1  }
0xb6: {  	[sflag:s29] =	ssyncadd.s32 $0xFFFFFFFF  }
0xb7: {  	_ =	strace $0x90000048  }
0xb8: {  	_ =	sfence  }
0xb9: {  	s30 =	sld [smem:$0x0];
	_ =	sdelay $0x2  }
0xba: {  	s31 =	sshll.u32 s1, $0xD;
	s1 =	sshrl.u32 s1, $0x2  }
0xbb: {  	s3 =	sand.u32 $0x4000, s31;
	s1 =	sadd.s32 s1, s30  }
0xbc: {  	s0 =	sor.u32 s3, s0;
	s1 =	sshll.u32 s1, $0x11  }
0xbd: {  	s0 =	sor.u32 s1, s0  }
0xbe: {  	s0 =	sadd.s32 $0x8F2B, s0  }
0xbf: {  	[sflag:s0] =	ssyncadd.remote.s32 $0x1  }
0xc0: {  	_ =	sfence.sel $0xFFFF  }
0xc1: {  	[dreg:$0x0] =	wrdreg $0xFFFFFFFF;
	(pc) =	sbr.abs _section_cstart, $3  }
0xc2: {  	[dreg:$0x1] =	wrdreg $0xFFFFFFFF  }
0xc3: {  	_ =	task.clear_ibuf [dreg:s8], $0x2FFFF;
	_ =	strace $0x9FFFFFFF  }
0xc4: {  	(tm) =	ssettm $0x7FFFFFFF  }
0xc5: {  	_ =	shalt  }
tec
execute0_lowered:
.L_overlay_start_1:
0x0: {  	(tag) =	ssettag $0x1  }
0x1: {  	s0 =	srdreg.scid;
	s8 =	stileid.u32  }
0x2: {  	s0 =	sand.u32 $0x1, s0;
	s4 =	sshll.u32 s8, $0x1  }
0x3: {  	s1 =	rddreg [dreg:$0x0];
	s5 =	sor.u32 s0, s4  }
0x4: {  	s2 =	rddreg [dreg:$0x1];
	s6 =	smul.u32 $0x1F40, s5  }
0x5: {  	s3 =	rddreg [dreg:$0x2];
	s23 =	simm.s32 $0x2BF20;
	s7 =	smul.u32 $0x500, s5  }
0x6: {  	s28 =	simm.s32 $0x28;
	s8 =	sshll.u32 s8, $0x6;
	s12 =	smul.u32 $0x2800, s5  }
0x7: {  	s4 =	simm.s32 $0x0;
	s26 =	sor.u32 $0x20, s5;
	s20 =	smul.u32 $0x1388, s5  }
0x8: {  	s0 =	ssub.s32 $0x2, s0;
	s10 =	sor.u32 $0x40, s5;
	s9 =	smul.u32 $0x500, s26  }
0x9: {  	[smem:$0x7FF] =	sst s4;
	s30 =	sor.u32 $0x60, s5;
	s29 =	smul.u32 $0x500, s10  }
0xa: {  	s24 =	sshrl.u32 s0, $0x1;
	p0 =	sgt.u32 s5, $0x1C;
	s13 =	smul.u32 $0x500, s30  }
0xb: {  	_ =	strace $0x80000047;
	s0 =	ssub.s32 s0, s24;
	s10 =	smul.u32 $0x2800, s10  }
0xc: {  	s19 =	smul.u32 $0x2800, s30;
	[dreg:$0x4] =	wrdreg s23;
	s2 =	sadd.s32 s6, s2  }
0xd: {  	s25 =	sadd.s32 s1, s7;
	s7 =	sadd.s32 s3, s7;
	[dreg:$0x5] =	wrdreg s20  }
0xe: {  	s14 =	sshrl.u32 s12, $0x3;
	s6 =	smul.u32 $0x2800, s26;
	[dreg:$0x6] =	wrdreg s25  }
0xf: {  	s0 =	smax.u32 s0, $0x1;
	[dreg:$0x7] =	wrdreg s7;
	s7 =	sor.u32 $0x1C0D, s8  }
0x10: {  	s11 =	sadd.s32 s1, s9;
	s9 =	sadd.s32 s3, s9;
	[dreg:$0x14] =	wrdreg s0  }
0x11: {  	s31 =	sadd.s32 s1, s29;
	s8 =	sadd.s32 s3, s29;
	[dreg:$0x8] =	wrdreg s11  }
0x12: {  	s15 =	sadd.s32 s1, s13;
	s16 =	sadd.s32 s1, s14;
	[dreg:$0x9] =	wrdreg s9  }
0x13: {  	s18 =	sshrl.u32 s10, $0x3;
	s25 =	smul.u32 $0x9C400, s5;
	[dreg:$0xa] =	wrdreg s31  }
0x14: {  	s22 =	sshrl.u32 s19, $0x3;
	s5 =	smul.u32 $0x13880, s5;
	[dreg:$0xb] =	wrdreg s8  }
0x15: {  	s2 =	sadd.s32 $0x400, s2;
	[dreg:$0xc] =	wrdreg s15;
	s9 =	sadd.s32 s3, s13  }
0x16: {  	s8 =	sadd.s32 s3, s14;
	s6 =	sshrl.u32 s6, $0x3;
	s14 =	sadd.s32 $0x27100, s16  }
0x17: {  	s10 =	sadd.s32 s1, s18;
	s21 =	sadd.s32 s3, s18;
	[dreg:$0x12] =	wrdreg s2  }
0x18: {  	s24 =	sadd.s32 s1, s22;
	s26 =	sadd.s32 s3, s22;
	[dreg:$0xd] =	wrdreg s9  }
0x19: {  	s15 =	sadd.s32 $0x298100, s8;
	s17 =	sadd.s32 s1, s6;
	s6 =	sadd.s32 s3, s6  }
0x1a: {  	s12 =	sadd.s32 $0x27100, s10;
	s11 =	sadd.s32 $0x298100, s21;
	s10 =	sadd.s32 $0x27100, s24  }
0x1b: {  	s29 =	sshrl.u32 s25, $0x3;
	s31 =	sadd.s32 s3, s5;
	s21 =	simm.s32 $0x10E00  }
0x1c: {  	s5 =	simm.s32 $0x6;
	s8 =	simm.s32 $0xA;
	s9 =	simm.s32 $0xB  }
0x1d: {  	s16 =	sadd.s32 $0x27100, s17;
	s17 =	sadd.s32 $0x298100, s6;
	[dreg:$0xe] =	wrdreg s12  }
0x1e: {  	s6 =	sadd.s32 $0x298100, s26;
	s0 =	sadd.s32 $0x27100, s31;
	[dreg:$0xf] =	wrdreg s11  }
0x1f: {  	s30 =	sadd.s32 s3, s29;
	s10 =	smov.u32 @p0 s12;
	[dreg:$0x15] =	wrdreg s0  }
0x20: {  	s12 =	simm.s32 $0x0;
	s2 =	sadd.s32 $0x2D2800, s30;
	[dreg:$0x10] =	wrdreg s10  }
0x21: {  	s6 =	smov.u32 @p0 s11;
	s10 =	simm.s32 $0xC;
	[dreg:$0x13] =	wrdreg s2  }
0x22: {  	s11 =	simm.s32 $0xD;
	[dreg:$0x11] =	wrdreg s6;
	s6 =	simm.s32 $0x9  }
.LBB2_1:
0x23: {  	s0 =	rddreg [dreg:$0x6]  }
0x24: {  	s2 =	rddreg [dreg:$0x7]  }
0x25: {  	[hbm:s2], [sflag:s7] =	dma.local [hbm:s0], $0x500  }
0x26: {  	s0 =	rddreg [dreg:$0x8]  }
0x27: {  	s2 =	rddreg [dreg:$0x9]  }
0x28: {  	[hbm:s2], [sflag:s7] =	dma.local [hbm:s0], $0x500  }
0x29: {  	s0 =	rddreg [dreg:$0xa]  }
0x2a: {  	s2 =	rddreg [dreg:$0xb]  }
0x2b: {  	[hbm:s2], [sflag:s7] =	dma.local [hbm:s0], $0x500  }
0x2c: {  	s0 =	rddreg [dreg:$0xc]  }
0x2d: {  	s2 =	rddreg [dreg:$0xd]  }
0x2e: {  	[hbm:s2], [sflag:s7] =	dma.local @!p0 [hbm:s0], $0x500  }
0x2f: {  	[hbm:s15], [sflag:s7] =	dma.local @!p0 [hbm:s14], $0x500  }
0x30: {  	s13 =	smov.u32 s16;
	s18 =	smov.u32 s17;
	s19 =	rddreg [dreg:$0xe]  }
0x31: {  	s13 =	smov.u32 @p0 s14;
	s18 =	smov.u32 @p0 s15;
	s20 =	rddreg [dreg:$0xf]  }
0x32: {  	[hbm:s18], [sflag:s7] =	dma.local [hbm:s13], $0x500  }
0x33: {  	s19 =	smov.u32 @p0 s16;
	s20 =	smov.u32 @p0 s17  }
0x34: {  	[hbm:s20], [sflag:s7] =	dma.local [hbm:s19], $0x500  }
0x35: {  	s20 =	rddreg [dreg:$0x10]  }
0x36: {  	s22 =	rddreg [dreg:$0x11]  }
0x37: {  	[hbm:s22], [sflag:s7] =	dma.local [hbm:s20], $0x500  }
0x38: {  	s23 =	simm.s32 $0xE;
	s0 =	rddreg [dreg:$0x12]  }
0x39: {  	[tilespmem:s4], [sflag:$0xE] =	stream.linear.gather [hbm4b:s0+s4], $0xFA00, $0x38;
	[tilespmem:$0x14A00] =	vst v63  }
0x3a: {  	_ =	swait.ge [sflag:s23], $0xFA00  }
0x3b: {  	[sflag:s23] =	ssyncset.done $0x0  }
0x3c: {  	s24 =	simm.s32 $0xFA00;
	[sflag:s23] =	ssyncadd.s32 $0xFFFF0600  }
0x3d: {  	[tilespmem:s24], [sflag:$0x1] =	stream.indirect.gather [hbm4b:s1+s28], $0x80, s4, s28, $0xb8;
	[tilespmem:$0x14A00] =	vst v63  }
0x3e: {  	s25 =	simm.s32 $0x100;
	s26 =	simm.s32 $0x1  }
0x3f: {  	[tilespmem:s21], [sflag:$0x2] =	stream.indirect.gather [hbm4b:s1+s28], $0x80, s25, s28, $0xb8;
	[tilespmem:$0x14A00] =	vst v63  }
0x40: {  	_ =	swait.ge [sflag:s26], $0x1400  }
0x41: {  	[sflag:s26] =	ssyncset.done $0x0  }
0x42: {  	s30 =	simm.s32 $0x80;
	[sflag:s26] =	ssyncadd.s32 $0xFFFFEC00  }
0x43: {  	[tilespmem:s24], [sflag:$0x5] =	stream.indirect.gather.add.f32 [hbm:s1], $0x80, s30, s28, $0xb8;
	[tilespmem:$0x14A00] =	vst v63  }
0x44: {  	s13 =	simm.s32 $0x200;
	s18 =	simm.s32 $0x12200;
	s19 =	simm.s32 $0x2  }
0x45: {  	[tilespmem:s18], [sflag:$0x3] =	stream.indirect.gather [hbm4b:s1+s28], $0x80, s13, s28, $0xb8;
	[tilespmem:$0x14A00] =	vst v63  }
0x46: {  	_ =	swait.ge [sflag:s19], $0x1400  }
0x47: {  	s20 =	simm.s32 $0x180;
	[sflag:s19] =	ssyncset.done $0x0  }
0x48: {  	s0 =	simm.s32 $0x280;
	s25 =	simm.s32 $0x2;
	[sflag:s19] =	ssyncadd.s32 $0xFFFFEC00  }
0x49: {  	[tilespmem:s21], [sflag:$0x6] =	stream.indirect.gather.add.f32 [hbm:s1], $0x80, s20, s28, $0xb8;
	[tilespmem:$0x14A00] =	vst v63  }
0x4a: {  	s23 =	simm.s32 $0x300;
	s13 =	sand.u32 $0x3, s25;
	s21 =	simm.s32 $0x5  }
0x4b: {  	s26 =	smul.u32 $0x5000, s13;
	s30 =	sadd.s32 $0x1, s13;
	_ =	swait.ge [sflag:s21], $0x1400  }
0x4c: {  	s13 =	sadd.s32 $0x5, s13;
	s19 =	simm.s32 $0x4;
	[sflag:s21] =	ssyncset.done $0x0  }
0x4d: {  	s18 =	sshrl.u32 s26, $0x2;
	s22 =	rddreg [dreg:$0x15];
	[sflag:s21] =	ssyncadd.s32 $0xFFFFEC00  }
0x4e: {  	[hbm4b:s22+s4] =	stream.linear.scatter [tilespmem:s24], [sflag:$0x9], $0x1400, $0x38;
	[tilespmem:$0x14A00] =	vst v63  }
0x4f: {  	s18 =	sadd.s32 $0xFA00, s18;
	s24 =	simm.s32 $0x13600;
	s22 =	simm.s32 $0x400  }
0x50: {  	[tilespmem:s24], [sflag:$0x4] =	stream.indirect.gather [hbm4b:s1+s28], $0x80, s23, s28, $0xb8;
	[tilespmem:$0x14A00] =	vst v63  }
0x51: {  	s24 =	simm.s32 $0x1;
	s23 =	simm.s32 $0x6;
	_ =	swait.ge [sflag:s30], $0x1400  }
0x52: {  	s26 =	sand.u32 $0x3, s24;
	s25 =	sand.u32 $0x1, s24;
	s24 =	simm.s32 $0x3  }
0x53: {  	[sflag:s30] =	ssyncset.done $0x0;
	s2 =	sadd.s32 $0x5, s26;
	s31 =	smul.u32 $0x5000, s26  }
0x54: {  	p1 =	seq.s32 s25, $0x1;
	s25 =	sand.u32 $0x3, s24;
	[sflag:s30] =	ssyncadd.s32 $0xFFFFEC00  }
0x55: {  	[tilespmem:s18], [sflag:s13] =	stream.indirect.gather.add.f32 [hbm:s1], $0x80, s0, s28, $0xb8;
	[tilespmem:$0x14A00] =	vst v63  }
0x56: {  	s21 =	sadd.s32 $0x9, s26;
	s30 =	simm.s32 $0x0;
	_ =	swait.ge [sflag:s2], $0x1400  }
0x57: {  	s18 =	simm.s32 $0x5;
	s30 =	smul.u32 $0x28, s30;
	s29 =	rddreg [dreg:$0x4]  }
0x58: {  	[sflag:s2] =	ssyncset.done $0x0;
	s0 =	rddreg [dreg:$0x5];
	s29 =	simm.s32 @!p1 $0x2710  }
0x59: {  	s13 =	simm.s32 $0x500;
	[sflag:s2] =	ssyncadd.s32 $0xFFFFEC00;
	s2 =	sadd.s32 s0, s29  }
0x5a: {  	s31 =	sshrl.u32 s31, $0x2;
	p1 =	por $0x0, $0x0;
	s2 =	sadd.s32 s30, s2  }
0x5b: {  	s26 =	sadd.s32 $0xFA00, s31;
	s20 =	sand.u32 @!p1 $0x3, s19;
	s2 =	sshll.u32 s2, $0x4  }
0x5c: {  	s19 =	sadd.s32 @!p1 $0x9, s20;
	s29 =	smul.u32 @!p1 $0x5000, s20;
	s31 =	sadd.s32 s3, s2  }
.LBB2_2:
0x5d: {  	s2 =	smul.u32 $0x5000, s25;
	s30 =	smov.u32 s18;
	s18 =	smov.u32 s23  }
0x5e: {  	[hbm4b:s31+s4] =	stream.linear.scatter [tilespmem:s26], [sflag:s21], $0x1400, $0x38;
	[tilespmem:$0x14A00] =	vst v63  }
0x5f: {  	s23 =	sadd.s32 $0x1, s23;
	s0 =	smov.u32 s24;
	s20 =	sadd.s32 @!p1 $0x1, s20  }
0x60: {  	s24 =	simm.s32 @!p1 $0x28;
	s26 =	sadd.s32 $0x1, s25;
	_ =	swait.ge @!p1 [sflag:s19], $0x1400  }
0x61: {  	s29 =	sshrl.u32 @!p1 s29, $0x2;
	p2 =	sne.s32 s23, $0xFC;
	[sflag:s19] =	ssyncset.done @!p1 $0x0  }
0x62: {  	s21 =	sadd.s32 @!p1 $0xFA00, s29;
	s2 =	sshrl.u32 s2, $0x2;
	[sflag:s19] =	ssyncadd.s32 @!p1 $0xFFFFEC00  }
0x63: {  	[tilespmem:s21], [sflag:s20] =	stream.indirect.gather @!p1 [hbm4b:s1+s24], $0x80, s22, s24, $0xb8;
	[tilespmem:$0x14A00] =	vst v63  }
0x64: {  	s29 =	sadd.s32 $0xFFFFFE80, s13;
	s22 =	sadd.s32 $0x5, s25;
	s25 =	sadd.s32 $0xFFFFFFFD, s30  }
0x65: {  	s2 =	sadd.s32 $0xFA00, s2;
	_ =	swait.ge [sflag:s26], $0x1400;
	s21 =	sand.u32 $0x3, s25  }
0x66: {  	s24 =	sand.u32 $0x1, s25;
	s25 =	sshrl.u32 s25, $0x1;
	[sflag:s26] =	ssyncset.done $0x0  }
0x67: {  	s19 =	smul.u32 $0x5000, s21;
	[sflag:s26] =	ssyncadd.s32 $0xFFFFEC00;
	s26 =	sadd.s32 $0x5, s21  }
0x68: {  	[tilespmem:s2], [sflag:s22] =	stream.indirect.gather.add.f32 [hbm:s1], $0x80, s29, s28, $0xb8;
	[tilespmem:$0x14A00] =	vst v63  }
0x69: {  	p1 =	seq.s32 s24, $0x1;
	s24 =	sadd.s32 $0xFFFFFFFE, s18;
	_ =	swait.ge [sflag:s26], $0x1400  }
0x6a: {  	s21 =	sadd.s32 $0x9, s21;
	s22 =	smov.u32 s13;
	[sflag:s26] =	ssyncset.done $0x0  }
0x6b: {  	s2 =	smul.u32 $0x28, s25;
	s20 =	rddreg [dreg:$0x4];
	[sflag:s26] =	ssyncadd.s32 $0xFFFFEC00  }
.Ltmp0:
0x6c: {  	s26 =	rddreg [dreg:$0x5];
	s20 =	simm.s32 @!p1 $0x2710;
	(pc) =	sbr.rel @p2 .LBB2_2-.Ltmp0, $4  }
0x6d: {  	s13 =	sadd.s32 $0x100, s13;
	s25 =	sand.u32 $0x3, s24;
	s20 =	sadd.s32 s26, s20  }
0x6e: {  	p1 =	sgt.u32 s0, $0xF7;
	s26 =	sshrl.u32 s19, $0x2;
	s2 =	sadd.s32 s2, s20  }
0x6f: {  	s20 =	sand.u32 @!p1 $0x3, s30;
	s26 =	sadd.s32 $0xFA00, s26;
	s0 =	sshll.u32 s2, $0x4  }
0x70: {  	s19 =	sadd.s32 @!p1 $0x9, s20;
	s29 =	smul.u32 @!p1 $0x5000, s20;
	s31 =	sadd.s32 s3, s0  }
0x71: {  	[hbm4b:s31+s4] =	stream.linear.scatter [tilespmem:s26], [sflag:s21], $0x1400, $0x38;
	[tilespmem:$0x14A00] =	vst v63  }
0x72: {  	s0 =	smul.u32 $0x5000, s25;
	s20 =	sadd.s32 @!p1 $0x1, s20  }
0x73: {  	s21 =	simm.s32 @!p1 $0x28;
	s23 =	sadd.s32 $0x1, s25;
	_ =	swait.ge @!p1 [sflag:s19], $0x1400  }
0x74: {  	s26 =	sadd.s32 $0xFFFFFFFD, s18;
	s2 =	sshrl.u32 @!p1 s29, $0x2;
	[sflag:s19] =	ssyncset.done @!p1 $0x0  }
0x75: {  	s29 =	sadd.s32 $0x5, s25;
	s2 =	sadd.s32 @!p1 $0xFA00, s2;
	[sflag:s19] =	ssyncadd.s32 @!p1 $0xFFFFEC00  }
0x76: {  	[tilespmem:s2], [sflag:s20] =	stream.indirect.gather @!p1 [hbm4b:s1+s21], $0x80, s22, s21, $0xb8;
	[tilespmem:$0x14A00] =	vst v63  }
0x77: {  	s30 =	sand.u32 $0x3, s26;
	s0 =	sshrl.u32 s0, $0x2;
	_ =	swait.ge [sflag:s23], $0x1400  }
0x78: {  	s31 =	sadd.s32 $0x5, s30;
	s25 =	smul.u32 $0x5000, s30;
	[sflag:s23] =	ssyncset.done $0x0  }
0x79: {  	s0 =	sadd.s32 $0xFA00, s0;
	s22 =	sadd.s32 $0xFFFFFE80, s13;
	[sflag:s23] =	ssyncadd.s32 $0xFFFFEC00  }
0x7a: {  	[tilespmem:s0], [sflag:s29] =	stream.indirect.gather.add.f32 [hbm:s1], $0x80, s22, s28, $0xb8;
	[tilespmem:$0x14A00] =	vst v63  }
0x7b: {  	s19 =	sshrl.u32 s26, $0x1;
	s20 =	sand.u32 $0x1, s26;
	_ =	swait.ge [sflag:s31], $0x1400  }
0x7c: {  	s26 =	smul.u32 $0x28, s19;
	p1 =	seq.s32 s20, $0x1;
	s0 =	rddreg [dreg:$0x4]  }
0x7d: {  	s29 =	sshrl.u32 s25, $0x2;
	s23 =	rddreg [dreg:$0x5];
	s0 =	simm.s32 @!p1 $0x2710  }
0x7e: {  	s21 =	sadd.s32 $0x9, s30;
	s2 =	sadd.s32 $0xFA00, s29;
	s0 =	sadd.s32 s23, s0  }
0x7f: {  	[sflag:s31] =	ssyncset.done $0x0;
	p1 =	sgt.u32 s24, $0xF7;
	s0 =	sadd.s32 s26, s0  }
0x80: {  	[sflag:s31] =	ssyncadd.s32 $0xFFFFEC00;
	s18 =	sand.u32 @!p1 $0x3, s18;
	s0 =	sshll.u32 s0, $0x4  }
0x81: {  	s19 =	sadd.s32 @!p1 $0x9, s18;
	s20 =	smul.u32 @!p1 $0x5000, s18;
	s0 =	sadd.s32 s3, s0  }
0x82: {  	[hbm4b:s0+s4] =	stream.linear.scatter [tilespmem:s2], [sflag:s21], $0x1400, $0x38;
	[tilespmem:$0x14A00] =	vst v63  }
0x83: {  	_ =	swait.ge @!p1 [sflag:s19], $0x1400  }
0x84: {  	s0 =	sshrl.u32 @!p1 s20, $0x2;
	s2 =	sadd.s32 @!p1 $0x1, s18;
	[sflag:s19] =	ssyncset.done @!p1 $0x0  }
0x85: {  	s18 =	simm.s32 @!p1 $0x28;
	s0 =	sadd.s32 @!p1 $0xFA00, s0;
	[sflag:s19] =	ssyncadd.s32 @!p1 $0xFFFFEC00  }
0x86: {  	[tilespmem:s0], [sflag:s2] =	stream.indirect.gather @!p1 [hbm4b:s1+s18], $0x80, s13, s18, $0xb8;
	[tilespmem:$0x14A00] =	vst v63  }
0x87: {  	_ =	swait.ge [sflag:s5], $0x1400  }
0x88: {  	[sflag:s5] =	ssyncset.done $0x0  }
0x89: {  	s21 =	simm.s32 $0x10E00;
	s30 =	rddreg [dreg:$0x13];
	[sflag:s5] =	ssyncadd.s32 $0xFFFFEC00  }
0x8a: {  	[hbm4b:s30+s4] =	stream.linear.scatter [tilespmem:s21], [sflag:$0xA], $0x1400, $0x38;
	[tilespmem:$0x14A00] =	vst v63  }
0x8b: {  	_ =	swait.ge [sflag:s6], $0x1400  }
0x8c: {  	[sflag:s6] =	ssyncset.done $0x0  }
0x8d: {  	[sflag:s6] =	ssyncadd.s32 $0xFFFFEC00  }
0x8e: {  	_ =	swait.ge [sflag:s8], $0x1400  }
0x8f: {  	[sflag:s8] =	ssyncset.done $0x0  }
0x90: {  	[sflag:s8] =	ssyncadd.s32 $0xFFFFEC00  }
0x91: {  	_ =	swait.ge [sflag:s9], $0x1400  }
0x92: {  	[sflag:s9] =	ssyncset.done $0x0  }
0x93: {  	[sflag:s9] =	ssyncadd.s32 $0xFFFFEC00  }
0x94: {  	_ =	swait.ge [sflag:s10], $0x1400  }
0x95: {  	[sflag:s10] =	ssyncset.done $0x0  }
0x96: {  	[sflag:s10] =	ssyncadd.s32 $0xFFFFEC00  }
0x97: {  	_ =	swait.ge [sflag:s11], $0x500  }
0x98: {  	[sflag:s11] =	ssyncset.done $0x0  }
0x99: {  	[sflag:s11] =	ssyncadd.s32 $0xFFFFFB00  }
0x9a: {  	_ =	swait.ge [sflag:s11], $0x500  }
0x9b: {  	[sflag:s11] =	ssyncset.done $0x0  }
0x9c: {  	[sflag:s11] =	ssyncadd.s32 $0xFFFFFB00  }
0x9d: {  	_ =	swait.ge [sflag:s11], $0x500  }
0x9e: {  	[sflag:s11] =	ssyncset.done $0x0  }
0x9f: {  	[sflag:s11] =	ssyncadd.s32 $0xFFFFFB00  }
0xa0: {  	_ =	swait.ge [sflag:s11], $0x500  }
0xa1: {  	[sflag:s11] =	ssyncset.done $0x0  }
0xa2: {  	[sflag:s11] =	ssyncadd.s32 $0xFFFFFB00  }
0xa3: {  	_ =	swait.ge [sflag:s11], $0x500  }
0xa4: {  	[sflag:s11] =	ssyncset.done $0x0  }
0xa5: {  	[sflag:s11] =	ssyncadd.s32 $0xFFFFFB00  }
0xa6: {  	_ =	swait.ge [sflag:s11], $0x500  }
0xa7: {  	[sflag:s11] =	ssyncset.done $0x0  }
0xa8: {  	s0 =	simm.s32 @!p0 $0xD;
	[sflag:s11] =	ssyncadd.s32 $0xFFFFFB00  }
0xa9: {  	_ =	swait.ge @!p0 [sflag:s0], $0x500  }
0xaa: {  	[sflag:s0] =	ssyncset.done @!p0 $0x0  }
0xab: {  	[sflag:s0] =	ssyncadd.s32 @!p0 $0xFFFFFB00  }
0xac: {  	_ =	swait.ge @!p0 [sflag:s0], $0x500  }
0xad: {  	s12 =	sadd.s32 $0x1, s12;
	s31 =	rddreg [dreg:$0x14]  }
0xae: {  	p1 =	sne.s32 s12, s31  }
.Ltmp1:
0xaf: {  	_ = 	snop;
	(pc) =	sbr.rel @p1 .LBB2_1-.Ltmp1, $3  }
0xb0: {  	_ =	sdelay $0x1  }
0xb1: {  	[sflag:s0] =	ssyncset.done @!p0 $0x0  }
0xb2: {  	[sflag:s0] =	ssyncadd.s32 @!p0 $0xFFFFFB00  }
0xb3: {  	_ =	sfence.sel $0x180000  }
0xb4: {  	[bflag:$0x0] =	sbarrier.arrive $0xFFFF  }
0xb5: {  	_ =	strace $0x90000047  }
0xb6: {  	s0 =	stileid.u32;
	[bflag:$0x2] =	sbarrier.arrive $0xFFFF  }
0xb7: {  	p0 =	sne.s32 s0, $0x0;
	s0 =	rddreg [dreg:$0x3]  }
0xb8: {  	s0 =	sadd.s32 @!p0 $0x100000, s0  }
0xb9: {  	[sflag:s0] =	ssyncadd.tile.s32 @!p0 $0x1;
	_ =	shalt  }
.Lfunc_end2:
_tile_overlayer_lowered:
.L_overlay_start_2:
0xba: {  	(tag) =	ssettag $0x2  }
0xbb: {  	s0 =	rddreg [dreg:$0x0];
	s2 =	stileid.u32  }
0xbc: {  	s1 =	rddreg [dreg:$0x1];
	p0 =	sne.s32 s2, $0x0  }
0xbd: {  	s3 =	rddreg [dreg:$0x2];
	[bflag:$0x3] =	sbarrier.arrive $0xFFFF;
	s2 =	simm.s32 @!p0 $0x1C0E  }
0xbe: {  	[timem:s3], [sflag:s2] =	dma.local @!p0 [hbm:s0], s1  }
0xbf: {  	s0 =	simm.s32 @!p0 $0xE  }
0xc0: {  	_ =	swait.ge @!p0 [sflag:s0], s1  }
0xc1: {  	s1 =	ssub.s32 @!p0 $0x0, s1;
	[sflag:s0] =	ssyncset.done @!p0 $0x0  }
0xc2: {  	[sflag:s0] =	ssyncadd.s32 @!p0 s1  }
0xc3: {  	[bflag:$0x3] =	sbarrier.arrive $0xFFFF  }
0xc4: {  	_ =	shalt  }

</sc_bundles>
